<compile_context>
chip_gen: v7x
topology: tpu7x:2x2x1
jax: 0.10.2.dev20260603
libtpu: 0.0.44.dev20260713+nightly
codegen_flags: <defaults>
</compile_context>

<pallas_src>
import functools

import jax
import jax.numpy as jnp
from jax import lax
from jax.experimental import pallas as pl
from jax.experimental.pallas import tpu as pltpu
from jax.experimental.pallas import tpu_sc as plsc

_N_NODES = 10000
_D = 128
_N_PAIRS = 320000
_TOTAL_PAIRS = 2 * _N_PAIRS
_NC = 2
_NS = 16
_NW = _NC * _NS
_PAIRS_PER_W = _TOTAL_PAIRS // _NW
_C = 80
_NCHUNK = _PAIRS_PER_W // _C
_LANES = 16



def _norm_body(x_ref, o_ref):
    x = x_ref[...]
    n = jnp.sqrt(jnp.sum(x * x, axis=1, keepdims=True))
    o_ref[...] = x / jnp.maximum(n, 1e-8)


def _normalize(emb):
    blk = _N_NODES // 10
    return pl.pallas_call(
        _norm_body,
        out_shape=jax.ShapeDtypeStruct(emb.shape, emb.dtype),
        grid=(10,),
        in_specs=[pl.BlockSpec((blk, _D), lambda i: (i, 0))],
        out_specs=pl.BlockSpec((blk, _D), lambda i: (i, 0)),
    )(emb)



def _sc_body(emb_hbm, ia_hbm, ib_hbm, out_hbm,
             slab_a, slab_b, ra0, rb0, ra1, rb1, stage,
             sa0, sb0, sa1, sb1):
    wid = lax.axis_index("s") * _NC + lax.axis_index("c")

    pltpu.sync_copy(ia_hbm.at[wid], slab_a)
    pltpu.sync_copy(ib_hbm.at[wid], slab_b)

    def start_gather(c, ra, rb, sema, semb):
        pltpu.make_async_copy(emb_hbm.at[slab_a.at[c]], ra, sema).start()
        pltpu.make_async_copy(emb_hbm.at[slab_b.at[c]], rb, semb).start()

    def wait_gather(ra, rb, sema, semb):
        pltpu.make_async_copy(emb_hbm.at[pl.ds(0, _C)], ra, sema).wait()
        pltpu.make_async_copy(emb_hbm.at[pl.ds(0, _C)], rb, semb).wait()

    iota = lax.iota(jnp.int32, _LANES)
    pos_flag = (wid < (_NW // 2)).astype(jnp.float32)
    floor_vec = jnp.broadcast_to(-4.0 * pos_flag, (_LANES,))
    _UNROLL = 4

    def chunk_accum(ra, rb, acc):
        def pstep(t, pacc):
            for u in range(_UNROLL):
                p = t * _UNROLL + u
                v = ra[p, pl.ds(0, _LANES)] * rb[p, pl.ds(0, _LANES)]
                for k in range(1, _D // _LANES):
                    v = v + (ra[p, pl.ds(k * _LANES, _LANES)]
                             * rb[p, pl.ds(k * _LANES, _LANES)])
                for sh in (8, 4, 2, 1):
                    v = v + jnp.take(v, iota ^ sh, axis=0)
                pacc = pacc + jnp.maximum(v, floor_vec)
            return pacc

        return lax.fori_loop(0, _C // _UNROLL, pstep, acc)

    start_gather(0, ra0, rb0, sa0, sb0)
    start_gather(1, ra1, rb1, sa1, sb1)

    def body(k, acc):
        c0 = 2 * k
        wait_gather(ra0, rb0, sa0, sb0)
        acc = chunk_accum(ra0, rb0, acc)

        @pl.when(c0 + 2 < _NCHUNK)
        def _():
            start_gather(c0 + 2, ra0, rb0, sa0, sb0)

        wait_gather(ra1, rb1, sa1, sb1)
        acc = chunk_accum(ra1, rb1, acc)

        @pl.when(c0 + 3 < _NCHUNK)
        def _():
            start_gather(c0 + 3, ra1, rb1, sa1, sb1)

        return acc

    acc = lax.fori_loop(0, _NCHUNK // 2, body,
                        jnp.zeros((_LANES,), jnp.float32))

    stage[0, :] = acc
    pltpu.sync_copy(stage, out_hbm.at[wid])


@functools.partial(
    pl.kernel,
    mesh=plsc.VectorSubcoreMesh(core_axis_name="c", subcore_axis_name="s"),
    out_type=jax.ShapeDtypeStruct((_NW, 1, _LANES), jnp.float32),
    scratch_types=[
        pltpu.VMEM((_NCHUNK, _C), jnp.int32),
        pltpu.VMEM((_NCHUNK, _C), jnp.int32),
        pltpu.VMEM((_C, _D), jnp.float32),
        pltpu.VMEM((_C, _D), jnp.float32),
        pltpu.VMEM((_C, _D), jnp.float32),
        pltpu.VMEM((_C, _D), jnp.float32),
        pltpu.VMEM((1, _LANES), jnp.float32),
        pltpu.SemaphoreType.DMA,
        pltpu.SemaphoreType.DMA,
        pltpu.SemaphoreType.DMA,
        pltpu.SemaphoreType.DMA,
    ],
)
def _sc_loss(emb_hbm, ia_hbm, ib_hbm, out_hbm, *scratch):
    _sc_body(emb_hbm, ia_hbm, ib_hbm, out_hbm, *scratch)



def kernel(embeddings, positive_pairs, negative_pairs):
    emb_n = _normalize(embeddings)
    ia = jnp.concatenate(
        [positive_pairs[:, 0], negative_pairs[:, 0]]).reshape(_NW, _NCHUNK, _C)
    ib = jnp.concatenate(
        [positive_pairs[:, 1], negative_pairs[:, 1]]).reshape(_NW, _NCHUNK, _C)
    parts = _sc_loss(emb_n, ia, ib)
    pos_dot = jnp.sum(parts[: _NW // 2]) / _LANES
    neg_relu = jnp.sum(parts[_NW // 2:]) / _LANES
    return ((_N_PAIRS - pos_dot) + neg_relu) / _TOTAL_PAIRS

# --- scband reference (transcript-rebuilt; emitter-appended) ---
"""Pipeline reference for scband-contrastive-loss-23622320128097 (READ-ONLY COPY).

The authoritative reference and input builder live on the scoring server;
editing this copy changes nothing except your own understanding.
"""

import jax, jax.numpy as jnp
import numpy as np

MARGIN = 1.0
LAMBDA_CONTRAST = 1.0
NUM_NODES = 10000
D = 128
NUM_PAIRS = 320000


def setup_inputs(seed: int = 0) -> dict:
    key = jax.random.key(seed)
    k1, k2, k3 = jax.random.split(key, 3)
    embeddings = jax.random.normal(k1, (NUM_NODES, D), dtype=jnp.float32)
    positive_pairs = jax.random.randint(k2, (NUM_PAIRS, 2), 0, NUM_NODES, dtype=jnp.int32)
    negative_pairs = jax.random.randint(k3, (NUM_PAIRS, 2), 0, NUM_NODES, dtype=jnp.int32)
    return {"embeddings": embeddings, "positive_pairs": positive_pairs, "negative_pairs": negative_pairs}


def _cosine_distance(x1, x2):
    # 1 - cosine_similarity, matching torch.nn.functional.cosine_similarity (eps=1e-8)
    num = jnp.sum(x1 * x2, axis=1)
    n1 = jnp.sqrt(jnp.sum(x1 * x1, axis=1))
    n2 = jnp.sqrt(jnp.sum(x2 * x2, axis=1))
    denom = jnp.maximum(n1 * n2, 1e-8)
    return 1.0 - num / denom


def reference(embeddings, positive_pairs, negative_pairs):
    pos_i = jnp.take(embeddings, positive_pairs[:, 0], axis=0)
    pos_j = jnp.take(embeddings, positive_pairs[:, 1], axis=0)
    pos_dist = _cosine_distance(pos_i, pos_j)
    pos_loss = pos_dist

    neg_i = jnp.take(embeddings, negative_pairs[:, 0], axis=0)
    neg_j = jnp.take(embeddings, negative_pairs[:, 1], axis=0)
    neg_dist = _cosine_distance(neg_i, neg_j)
    neg_loss = jax.nn.relu(MARGIN - neg_dist)

    loss = jnp.concatenate([pos_loss, neg_loss], axis=0)
    loss = jnp.mean(loss)  # reduction='mean'
    return LAMBDA_CONTRAST * loss

if __name__ == "__main__":
    import jax
    _d = setup_inputs()
    print(jax.jit(kernel)(*tuple(_d.values())))

</pallas_src>

<mosaic_0001>
#map = affine_map<(d0, d1) -> (0, 0)>
#map1 = affine_map<(d0, d1) -> (0, 0, 0)>
module attributes {stable_mosaic.version = 14 : i64} {
  func.func @_sc_loss(%arg0: i32, %arg1: i32, %arg2: memref<10000x128xf32, #tpu.memory_space<hbm>>, %arg3: memref<32x250x80xi32, #tpu.memory_space<hbm>>, %arg4: memref<32x250x80xi32, #tpu.memory_space<hbm>>, %arg5: memref<32x1x16xf32, #tpu.memory_space<hbm>>, %arg6: memref<250x80xi32, #tpu.memory_space<vmem>>, %arg7: memref<250x80xi32, #tpu.memory_space<vmem>>, %arg8: memref<80x128xf32, #tpu.memory_space<vmem>>, %arg9: memref<80x128xf32, #tpu.memory_space<vmem>>, %arg10: memref<80x128xf32, #tpu.memory_space<vmem>>, %arg11: memref<80x128xf32, #tpu.memory_space<vmem>>, %arg12: memref<1x16xf32, #tpu.memory_space<vmem>>, %arg13: memref<!tpu.dma_semaphore, #tpu.memory_space<semaphore_mem>>, %arg14: memref<!tpu.dma_semaphore, #tpu.memory_space<semaphore_mem>>, %arg15: memref<!tpu.dma_semaphore, #tpu.memory_space<semaphore_mem>>, %arg16: memref<!tpu.dma_semaphore, #tpu.memory_space<semaphore_mem>>) attributes {dimension_semantics = [#tpu.dimension_semantics<core_parallel>, #tpu.dimension_semantics<subcore_parallel>], iteration_bounds = array<i64: 2, 16>, scalar_prefetch = 0 : i64, scratch_operands = 11 : i64, tpu.core_type = #tpu.core_type<sc_vector_subcore>, window_params = [{transform_indices = #map}, {transform_indices = #map1}, {transform_indices = #map1}, {transform_indices = #map1}]} {
    %mul3A = arith.constant 2 : i32
    %mul3A_0 = arith.muli %arg1, %mul3A : i32
    %add3A = arith.addi %mul3A_0, %arg0 : i32
    "tpu.region"() ({
      %run_scoped3A = tpu.sem_alloc : memref<!tpu.dma_semaphore, #tpu.memory_space<semaphore_mem>>
      %dma_start3A_44 = arith.constant 0 : i32
      %dma_start3A_45 = arith.constant 0 : i32
      %dma_start3A_46 = tpu.memref_slice %arg3[%add3A, %dma_start3A_44, %dma_start3A_45] : memref<32x250x80xi32, #tpu.memory_space<hbm>> -> memref<1x250x80xi32, #tpu.memory_space<hbm>>
      %dma_start3A_47 = tpu.memref_squeeze %dma_start3A_46 : memref<1x250x80xi32, #tpu.memory_space<hbm>> -> memref<250x80xi32, #tpu.memory_space<hbm>>
      %dma_start3A_48 = arith.constant 0 : i32
      %dma_start3A_49 = arith.constant 0 : i32
      %dma_start3A_50 = tpu.memref_slice %arg3[%add3A, %dma_start3A_48, %dma_start3A_49] : memref<32x250x80xi32, #tpu.memory_space<hbm>> -> memref<1x250x80xi32, #tpu.memory_space<hbm>>
      %dma_start3A_51 = tpu.memref_squeeze %dma_start3A_50 : memref<1x250x80xi32, #tpu.memory_space<hbm>> -> memref<250x80xi32, #tpu.memory_space<hbm>>
      tpu.enqueue_dma source(%dma_start3A_51 : memref<250x80xi32, #tpu.memory_space<hbm>>) target(%arg6 : memref<250x80xi32, #tpu.memory_space<vmem>>) target_semaphore(%run_scoped3A : memref<!tpu.dma_semaphore, #tpu.memory_space<semaphore_mem>>)
      %dma_wait3A = arith.constant 0 : i32
      %dma_wait3A_52 = arith.constant 0 : i32
      %dma_wait3A_53 = tpu.memref_slice %arg3[%add3A, %dma_wait3A, %dma_wait3A_52] : memref<32x250x80xi32, #tpu.memory_space<hbm>> -> memref<1x250x80xi32, #tpu.memory_space<hbm>>
      %dma_wait3A_54 = tpu.memref_squeeze %dma_wait3A_53 : memref<1x250x80xi32, #tpu.memory_space<hbm>> -> memref<250x80xi32, #tpu.memory_space<hbm>>
      %dma_wait3A_55 = arith.constant 0 : i32
      %dma_wait3A_56 = arith.constant 0 : i32
      %dma_wait3A_57 = tpu.memref_slice %arg3[%add3A, %dma_wait3A_55, %dma_wait3A_56] : memref<32x250x80xi32, #tpu.memory_space<hbm>> -> memref<1x250x80xi32, #tpu.memory_space<hbm>>
      %dma_wait3A_58 = tpu.memref_squeeze %dma_wait3A_57 : memref<1x250x80xi32, #tpu.memory_space<hbm>> -> memref<250x80xi32, #tpu.memory_space<hbm>>
      tpu.wait_dma2 semaphore(%run_scoped3A : memref<!tpu.dma_semaphore, #tpu.memory_space<semaphore_mem>>) src(%dma_wait3A_58 : memref<250x80xi32, #tpu.memory_space<hbm>>) dst(%arg6 : memref<250x80xi32, #tpu.memory_space<vmem>>)
      tpu.yield
    }) : () -> ()
    "tpu.region"() ({
      %run_scoped3A = tpu.sem_alloc : memref<!tpu.dma_semaphore, #tpu.memory_space<semaphore_mem>>
      %dma_start3A_44 = arith.constant 0 : i32
      %dma_start3A_45 = arith.constant 0 : i32
      %dma_start3A_46 = tpu.memref_slice %arg4[%add3A, %dma_start3A_44, %dma_start3A_45] : memref<32x250x80xi32, #tpu.memory_space<hbm>> -> memref<1x250x80xi32, #tpu.memory_space<hbm>>
      %dma_start3A_47 = tpu.memref_squeeze %dma_start3A_46 : memref<1x250x80xi32, #tpu.memory_space<hbm>> -> memref<250x80xi32, #tpu.memory_space<hbm>>
      %dma_start3A_48 = arith.constant 0 : i32
      %dma_start3A_49 = arith.constant 0 : i32
      %dma_start3A_50 = tpu.memref_slice %arg4[%add3A, %dma_start3A_48, %dma_start3A_49] : memref<32x250x80xi32, #tpu.memory_space<hbm>> -> memref<1x250x80xi32, #tpu.memory_space<hbm>>
      %dma_start3A_51 = tpu.memref_squeeze %dma_start3A_50 : memref<1x250x80xi32, #tpu.memory_space<hbm>> -> memref<250x80xi32, #tpu.memory_space<hbm>>
      tpu.enqueue_dma source(%dma_start3A_51 : memref<250x80xi32, #tpu.memory_space<hbm>>) target(%arg7 : memref<250x80xi32, #tpu.memory_space<vmem>>) target_semaphore(%run_scoped3A : memref<!tpu.dma_semaphore, #tpu.memory_space<semaphore_mem>>)
      %dma_wait3A = arith.constant 0 : i32
      %dma_wait3A_52 = arith.constant 0 : i32
      %dma_wait3A_53 = tpu.memref_slice %arg4[%add3A, %dma_wait3A, %dma_wait3A_52] : memref<32x250x80xi32, #tpu.memory_space<hbm>> -> memref<1x250x80xi32, #tpu.memory_space<hbm>>
      %dma_wait3A_54 = tpu.memref_squeeze %dma_wait3A_53 : memref<1x250x80xi32, #tpu.memory_space<hbm>> -> memref<250x80xi32, #tpu.memory_space<hbm>>
      %dma_wait3A_55 = arith.constant 0 : i32
      %dma_wait3A_56 = arith.constant 0 : i32
      %dma_wait3A_57 = tpu.memref_slice %arg4[%add3A, %dma_wait3A_55, %dma_wait3A_56] : memref<32x250x80xi32, #tpu.memory_space<hbm>> -> memref<1x250x80xi32, #tpu.memory_space<hbm>>
      %dma_wait3A_58 = tpu.memref_squeeze %dma_wait3A_57 : memref<1x250x80xi32, #tpu.memory_space<hbm>> -> memref<250x80xi32, #tpu.memory_space<hbm>>
      tpu.wait_dma2 semaphore(%run_scoped3A : memref<!tpu.dma_semaphore, #tpu.memory_space<semaphore_mem>>) src(%dma_wait3A_58 : memref<250x80xi32, #tpu.memory_space<hbm>>) dst(%arg7 : memref<250x80xi32, #tpu.memory_space<vmem>>)
      tpu.yield
    }) : () -> ()
    %iota3A = tpu.iota {dimensions = array<i32: 0>} : vector<16xi32>
    %lt3A = arith.constant 16 : i32
    %lt3A_1 = arith.cmpi slt, %add3A, %lt3A : i32
    %convert_element_type3A = arith.extui %lt3A_1 : i1 to i32
    %convert_element_type3A_2 = arith.sitofp %convert_element_type3A : i32 to f32
    %mul3A_3 = arith.constant -4.000000e+00 : f32
    %mul3A_4 = arith.mulf %mul3A_3, %convert_element_type3A_2 : f32
    %broadcast_in_dim3A = vector.broadcast %mul3A_4 : f32 to vector<16xf32>
    %dma_start3A = arith.constant 0 : i32
    %dma_start3A_5 = arith.constant 0 : i32
    %dma_start3A_6 = tpu.memref_slice %arg6[%dma_start3A, %dma_start3A_5] : memref<250x80xi32, #tpu.memory_space<vmem>> -> memref<1x80xi32, #tpu.memory_space<vmem>>
    %dma_start3A_7 = tpu.memref_squeeze %dma_start3A_6 : memref<1x80xi32, #tpu.memory_space<vmem>> -> memref<80xi32, #tpu.memory_space<vmem>>
    %dma_start3A_8 = arith.constant 0 : i32
    %dma_start3A_9 = arith.constant 0 : i32
    %dma_start3A_10 = tpu.memref_slice %arg2[%dma_start3A_8, %dma_start3A_9] : memref<10000x128xf32, #tpu.memory_space<hbm>> -> memref<10000x128xf32, #tpu.memory_space<hbm>>
    tpu.enqueue_indirect_dma source(%dma_start3A_10 : memref<10000x128xf32, #tpu.memory_space<hbm>>) target(%arg8 : memref<80x128xf32, #tpu.memory_space<vmem>>) offsets(%dma_start3A_7 : memref<80xi32, #tpu.memory_space<vmem>>) semaphore(%arg13 : memref<!tpu.dma_semaphore, #tpu.memory_space<semaphore_mem>>)
    %dma_start3A_11 = arith.constant 0 : i32
    %dma_start3A_12 = arith.constant 0 : i32
    %dma_start3A_13 = tpu.memref_slice %arg7[%dma_start3A_11, %dma_start3A_12] : memref<250x80xi32, #tpu.memory_space<vmem>> -> memref<1x80xi32, #tpu.memory_space<vmem>>
    %dma_start3A_14 = tpu.memref_squeeze %dma_start3A_13 : memref<1x80xi32, #tpu.memory_space<vmem>> -> memref<80xi32, #tpu.memory_space<vmem>>
    %dma_start3A_15 = arith.constant 0 : i32
    %dma_start3A_16 = arith.constant 0 : i32
    %dma_start3A_17 = tpu.memref_slice %arg2[%dma_start3A_15, %dma_start3A_16] : memref<10000x128xf32, #tpu.memory_space<hbm>> -> memref<10000x128xf32, #tpu.memory_space<hbm>>
    tpu.enqueue_indirect_dma source(%dma_start3A_17 : memref<10000x128xf32, #tpu.memory_space<hbm>>) target(%arg9 : memref<80x128xf32, #tpu.memory_space<vmem>>) offsets(%dma_start3A_14 : memref<80xi32, #tpu.memory_space<vmem>>) semaphore(%arg14 : memref<!tpu.dma_semaphore, #tpu.memory_space<semaphore_mem>>)
    %dma_start3A_18 = arith.constant 1 : i32
    %dma_start3A_19 = arith.constant 0 : i32
    %dma_start3A_20 = tpu.memref_slice %arg6[%dma_start3A_18, %dma_start3A_19] : memref<250x80xi32, #tpu.memory_space<vmem>> -> memref<1x80xi32, #tpu.memory_space<vmem>>
    %dma_start3A_21 = tpu.memref_squeeze %dma_start3A_20 : memref<1x80xi32, #tpu.memory_space<vmem>> -> memref<80xi32, #tpu.memory_space<vmem>>
    %dma_start3A_22 = arith.constant 0 : i32
    %dma_start3A_23 = arith.constant 0 : i32
    %dma_start3A_24 = tpu.memref_slice %arg2[%dma_start3A_22, %dma_start3A_23] : memref<10000x128xf32, #tpu.memory_space<hbm>> -> memref<10000x128xf32, #tpu.memory_space<hbm>>
    tpu.enqueue_indirect_dma source(%dma_start3A_24 : memref<10000x128xf32, #tpu.memory_space<hbm>>) target(%arg10 : memref<80x128xf32, #tpu.memory_space<vmem>>) offsets(%dma_start3A_21 : memref<80xi32, #tpu.memory_space<vmem>>) semaphore(%arg15 : memref<!tpu.dma_semaphore, #tpu.memory_space<semaphore_mem>>)
    %dma_start3A_25 = arith.constant 1 : i32
    %dma_start3A_26 = arith.constant 0 : i32
    %dma_start3A_27 = tpu.memref_slice %arg7[%dma_start3A_25, %dma_start3A_26] : memref<250x80xi32, #tpu.memory_space<vmem>> -> memref<1x80xi32, #tpu.memory_space<vmem>>
    %dma_start3A_28 = tpu.memref_squeeze %dma_start3A_27 : memref<1x80xi32, #tpu.memory_space<vmem>> -> memref<80xi32, #tpu.memory_space<vmem>>
    %dma_start3A_29 = arith.constant 0 : i32
    %dma_start3A_30 = arith.constant 0 : i32
    %dma_start3A_31 = tpu.memref_slice %arg2[%dma_start3A_29, %dma_start3A_30] : memref<10000x128xf32, #tpu.memory_space<hbm>> -> memref<10000x128xf32, #tpu.memory_space<hbm>>
    tpu.enqueue_indirect_dma source(%dma_start3A_31 : memref<10000x128xf32, #tpu.memory_space<hbm>>) target(%arg11 : memref<80x128xf32, #tpu.memory_space<vmem>>) offsets(%dma_start3A_28 : memref<80xi32, #tpu.memory_space<vmem>>) semaphore(%arg16 : memref<!tpu.dma_semaphore, #tpu.memory_space<semaphore_mem>>)
    %broadcast_in_dim3A_32 = arith.constant 0.000000e+00 : f32
    %broadcast_in_dim3A_33 = vector.broadcast %broadcast_in_dim3A_32 : f32 to vector<16xf32>
    %scan3A = arith.constant 0 : i32
    %scan3A_34 = arith.constant 125 : i32
    %scan3A_35 = arith.addi %scan3A, %scan3A_34 : i32
    %scan3A_36 = arith.constant 1 : i32
    %scan3A_37 = scf.for %scan3A_44 = %scan3A to %scan3A_35 step %scan3A_36 iter_args(%scan3A_45 = %broadcast_in_dim3A_33) -> (vector<16xf32>)  : i32 {
      %mul3A_46 = arith.constant 2 : i32
      %mul3A_47 = arith.muli %mul3A_46, %scan3A_44 : i32
      %dma_wait3A = arith.constant 0 : i32
      %dma_wait3A_48 = arith.constant 0 : i32
      %dma_wait3A_49 = tpu.memref_slice %arg2[%dma_wait3A, %dma_wait3A_48] : memref<10000x128xf32, #tpu.memory_space<hbm>> -> memref<80x128xf32, #tpu.memory_space<hbm>>
      %dma_wait3A_50 = arith.constant 0 : i32
      %dma_wait3A_51 = arith.constant 0 : i32
      %dma_wait3A_52 = tpu.memref_slice %arg2[%dma_wait3A_50, %dma_wait3A_51] : memref<10000x128xf32, #tpu.memory_space<hbm>> -> memref<80x128xf32, #tpu.memory_space<hbm>>
      tpu.wait_dma2 semaphore(%arg13 : memref<!tpu.dma_semaphore, #tpu.memory_space<semaphore_mem>>) src(%dma_wait3A_52 : memref<80x128xf32, #tpu.memory_space<hbm>>) dst(%arg8 : memref<80x128xf32, #tpu.memory_space<vmem>>)
      %dma_wait3A_53 = arith.constant 0 : i32
      %dma_wait3A_54 = arith.constant 0 : i32
      %dma_wait3A_55 = tpu.memref_slice %arg2[%dma_wait3A_53, %dma_wait3A_54] : memref<10000x128xf32, #tpu.memory_space<hbm>> -> memref<80x128xf32, #tpu.memory_space<hbm>>
      %dma_wait3A_56 = arith.constant 0 : i32
      %dma_wait3A_57 = arith.constant 0 : i32
      %dma_wait3A_58 = tpu.memref_slice %arg2[%dma_wait3A_56, %dma_wait3A_57] : memref<10000x128xf32, #tpu.memory_space<hbm>> -> memref<80x128xf32, #tpu.memory_space<hbm>>
      tpu.wait_dma2 semaphore(%arg14 : memref<!tpu.dma_semaphore, #tpu.memory_space<semaphore_mem>>) src(%dma_wait3A_58 : memref<80x128xf32, #tpu.memory_space<hbm>>) dst(%arg9 : memref<80x128xf32, #tpu.memory_space<vmem>>)
      %scan3A_59 = arith.constant 0 : i32
      %scan3A_60 = arith.constant 20 : i32
      %scan3A_61 = arith.addi %scan3A_59, %scan3A_60 : i32
      %scan3A_62 = arith.constant 1 : i32
      %scan3A_63 = scf.for %scan3A_96 = %scan3A_59 to %scan3A_61 step %scan3A_62 iter_args(%scan3A_97 = %scan3A_45) -> (vector<16xf32>)  : i32 {
        %mul3A_98 = arith.constant 4 : i32
        %mul3A_99 = arith.muli %scan3A_96, %mul3A_98 : i32
        %add3A_100 = arith.constant 0 : i32
        %add3A_101 = arith.addi %mul3A_99, %add3A_100 : i32
        %get3A = arith.index_cast %add3A_101 : i32 to index
        %get3A_102 = arith.constant 0 : index
        %get3A_103 = tpu.vector_load %arg8[%get3A, %get3A_102] {strides = array<i32>} : memref<80x128xf32, #tpu.memory_space<vmem>>, vector<1x16xf32>,
        %get3A_104 = vector.shape_cast %get3A_103 : vector<1x16xf32> to vector<16xf32>
        %get3A_105 = arith.index_cast %add3A_101 : i32 to index
        %get3A_106 = arith.constant 0 : index
        %get3A_107 = tpu.vector_load %arg9[%get3A_105, %get3A_106] {strides = array<i32>} : memref<80x128xf32, #tpu.memory_space<vmem>>, vector<1x16xf32>,
        %get3A_108 = vector.shape_cast %get3A_107 : vector<1x16xf32> to vector<16xf32>
        %mul3A_109 = arith.mulf %get3A_104, %get3A_108 : vector<16xf32>
        %get3A_110 = arith.index_cast %add3A_101 : i32 to index
        %get3A_111 = arith.constant 16 : index
        %get3A_112 = tpu.vector_load %arg8[%get3A_110, %get3A_111] {strides = array<i32>} : memref<80x128xf32, #tpu.memory_space<vmem>>, vector<1x16xf32>,
        %get3A_113 = vector.shape_cast %get3A_112 : vector<1x16xf32> to vector<16xf32>
        %get3A_114 = arith.index_cast %add3A_101 : i32 to index
        %get3A_115 = arith.constant 16 : index
        %get3A_116 = tpu.vector_load %arg9[%get3A_114, %get3A_115] {strides = array<i32>} : memref<80x128xf32, #tpu.memory_space<vmem>>, vector<1x16xf32>,
        %get3A_117 = vector.shape_cast %get3A_116 : vector<1x16xf32> to vector<16xf32>
        %mul3A_118 = arith.mulf %get3A_113, %get3A_117 : vector<16xf32>
        %add3A_119 = arith.addf %mul3A_109, %mul3A_118 : vector<16xf32>
        %get3A_120 = arith.index_cast %add3A_101 : i32 to index
        %get3A_121 = arith.constant 32 : index
        %get3A_122 = tpu.vector_load %arg8[%get3A_120, %get3A_121] {strides = array<i32>} : memref<80x128xf32, #tpu.memory_space<vmem>>, vector<1x16xf32>,
        %get3A_123 = vector.shape_cast %get3A_122 : vector<1x16xf32> to vector<16xf32>
        %get3A_124 = arith.index_cast %add3A_101 : i32 to index
        %get3A_125 = arith.constant 32 : index
        %get3A_126 = tpu.vector_load %arg9[%get3A_124, %get3A_125] {strides = array<i32>} : memref<80x128xf32, #tpu.memory_space<vmem>>, vector<1x16xf32>,
        %get3A_127 = vector.shape_cast %get3A_126 : vector<1x16xf32> to vector<16xf32>
        %mul3A_128 = arith.mulf %get3A_123, %get3A_127 : vector<16xf32>
        %add3A_129 = arith.addf %add3A_119, %mul3A_128 : vector<16xf32>
        %get3A_130 = arith.index_cast %add3A_101 : i32 to index
        %get3A_131 = arith.constant 48 : index
        %get3A_132 = tpu.vector_load %arg8[%get3A_130, %get3A_131] {strides = array<i32>} : memref<80x128xf32, #tpu.memory_space<vmem>>, vector<1x16xf32>,
        %get3A_133 = vector.shape_cast %get3A_132 : vector<1x16xf32> to vector<16xf32>
        %get3A_134 = arith.index_cast %add3A_101 : i32 to index
        %get3A_135 = arith.constant 48 : index
        %get3A_136 = tpu.vector_load %arg9[%get3A_134, %get3A_135] {strides = array<i32>} : memref<80x128xf32, #tpu.memory_space<vmem>>, vector<1x16xf32>,
        %get3A_137 = vector.shape_cast %get3A_136 : vector<1x16xf32> to vector<16xf32>
        %mul3A_138 = arith.mulf %get3A_133, %get3A_137 : vector<16xf32>
        %add3A_139 = arith.addf %add3A_129, %mul3A_138 : vector<16xf32>
        %get3A_140 = arith.index_cast %add3A_101 : i32 to index
        %get3A_141 = arith.constant 64 : index
        %get3A_142 = tpu.vector_load %arg8[%get3A_140, %get3A_141] {strides = array<i32>} : memref<80x128xf32, #tpu.memory_space<vmem>>, vector<1x16xf32>,
        %get3A_143 = vector.shape_cast %get3A_142 : vector<1x16xf32> to vector<16xf32>
        %get3A_144 = arith.index_cast %add3A_101 : i32 to index
        %get3A_145 = arith.constant 64 : index
        %get3A_146 = tpu.vector_load %arg9[%get3A_144, %get3A_145] {strides = array<i32>} : memref<80x128xf32, #tpu.memory_space<vmem>>, vector<1x16xf32>,
        %get3A_147 = vector.shape_cast %get3A_146 : vector<1x16xf32> to vector<16xf32>
        %mul3A_148 = arith.mulf %get3A_143, %get3A_147 : vector<16xf32>
        %add3A_149 = arith.addf %add3A_139, %mul3A_148 : vector<16xf32>
        %get3A_150 = arith.index_cast %add3A_101 : i32 to index
        %get3A_151 = arith.constant 80 : index
        %get3A_152 = tpu.vector_load %arg8[%get3A_150, %get3A_151] {strides = array<i32>} : memref<80x128xf32, #tpu.memory_space<vmem>>, vector<1x16xf32>,
        %get3A_153 = vector.shape_cast %get3A_152 : vector<1x16xf32> to vector<16xf32>
        %get3A_154 = arith.index_cast %add3A_101 : i32 to index
        %get3A_155 = arith.constant 80 : index
        %get3A_156 = tpu.vector_load %arg9[%get3A_154, %get3A_155] {strides = array<i32>} : memref<80x128xf32, #tpu.memory_space<vmem>>, vector<1x16xf32>,
        %get3A_157 = vector.shape_cast %get3A_156 : vector<1x16xf32> to vector<16xf32>
        %mul3A_158 = arith.mulf %get3A_153, %get3A_157 : vector<16xf32>
        %add3A_159 = arith.addf %add3A_149, %mul3A_158 : vector<16xf32>
        %get3A_160 = arith.index_cast %add3A_101 : i32 to index
        %get3A_161 = arith.constant 96 : index
        %get3A_162 = tpu.vector_load %arg8[%get3A_160, %get3A_161] {strides = array<i32>} : memref<80x128xf32, #tpu.memory_space<vmem>>, vector<1x16xf32>,
        %get3A_163 = vector.shape_cast %get3A_162 : vector<1x16xf32> to vector<16xf32>
        %get3A_164 = arith.index_cast %add3A_101 : i32 to index
        %get3A_165 = arith.constant 96 : index
        %get3A_166 = tpu.vector_load %arg9[%get3A_164, %get3A_165] {strides = array<i32>} : memref<80x128xf32, #tpu.memory_space<vmem>>, vector<1x16xf32>,
        %get3A_167 = vector.shape_cast %get3A_166 : vector<1x16xf32> to vector<16xf32>
        %mul3A_168 = arith.mulf %get3A_163, %get3A_167 : vector<16xf32>
        %add3A_169 = arith.addf %add3A_159, %mul3A_168 : vector<16xf32>
        %get3A_170 = arith.index_cast %add3A_101 : i32 to index
        %get3A_171 = arith.constant 112 : index
        %get3A_172 = tpu.vector_load %arg8[%get3A_170, %get3A_171] {strides = array<i32>} : memref<80x128xf32, #tpu.memory_space<vmem>>, vector<1x16xf32>,
        %get3A_173 = vector.shape_cast %get3A_172 : vector<1x16xf32> to vector<16xf32>
        %get3A_174 = arith.index_cast %add3A_101 : i32 to index
        %get3A_175 = arith.constant 112 : index
        %get3A_176 = tpu.vector_load %arg9[%get3A_174, %get3A_175] {strides = array<i32>} : memref<80x128xf32, #tpu.memory_space<vmem>>, vector<1x16xf32>,
        %get3A_177 = vector.shape_cast %get3A_176 : vector<1x16xf32> to vector<16xf32>
        %mul3A_178 = arith.mulf %get3A_173, %get3A_177 : vector<16xf32>
        %add3A_179 = arith.addf %add3A_169, %mul3A_178 : vector<16xf32>
        %xor3A = arith.constant 8 : i32
        %xor3A_180 = vector.broadcast %xor3A : i32 to vector<16xi32>
        %xor3A_181 = arith.xori %iota3A, %xor3A_180 : vector<16xi32>
        %lt3A_182 = arith.constant 0 : i32
        %lt3A_183 = vector.broadcast %lt3A_182 : i32 to vector<16xi32>
        %lt3A_184 = arith.cmpi slt, %xor3A_181, %lt3A_183 : vector<16xi32>
        %add3A_185 = arith.constant 16 : i32
        %add3A_186 = vector.broadcast %add3A_185 : i32 to vector<16xi32>
        %add3A_187 = arith.addi %xor3A_181, %add3A_186 : vector<16xi32>
        %select_n3A = arith.select %lt3A_184, %add3A_187, %xor3A_181 : vector<16xi1>, vector<16xi32>
        %broadcast_in_dim3A_188 = vector.shape_cast %select_n3A : vector<16xi32> to vector<16x1xi32>
        %gather3A = vector.shape_cast %broadcast_in_dim3A_188 : vector<16x1xi32> to vector<16xi32>
        %gather3A_189 = tpu.dynamic_gather %add3A_179[%gather3A] in [0] : vector<16xf32>, vector<16xi32> -> vector<16xf32>
        %add3A_190 = arith.addf %add3A_179, %gather3A_189 : vector<16xf32>
        %xor3A_191 = arith.constant 4 : i32
        %xor3A_192 = vector.broadcast %xor3A_191 : i32 to vector<16xi32>
        %xor3A_193 = arith.xori %iota3A, %xor3A_192 : vector<16xi32>
        %lt3A_194 = arith.constant 0 : i32
        %lt3A_195 = vector.broadcast %lt3A_194 : i32 to vector<16xi32>
        %lt3A_196 = arith.cmpi slt, %xor3A_193, %lt3A_195 : vector<16xi32>
        %add3A_197 = arith.constant 16 : i32
        %add3A_198 = vector.broadcast %add3A_197 : i32 to vector<16xi32>
        %add3A_199 = arith.addi %xor3A_193, %add3A_198 : vector<16xi32>
        %select_n3A_200 = arith.select %lt3A_196, %add3A_199, %xor3A_193 : vector<16xi1>, vector<16xi32>
        %broadcast_in_dim3A_201 = vector.shape_cast %select_n3A_200 : vector<16xi32> to vector<16x1xi32>
        %gather3A_202 = vector.shape_cast %broadcast_in_dim3A_201 : vector<16x1xi32> to vector<16xi32>
        %gather3A_203 = tpu.dynamic_gather %add3A_190[%gather3A_202] in [0] : vector<16xf32>, vector<16xi32> -> vector<16xf32>
        %add3A_204 = arith.addf %add3A_190, %gather3A_203 : vector<16xf32>
        %xor3A_205 = arith.constant 2 : i32
        %xor3A_206 = vector.broadcast %xor3A_205 : i32 to vector<16xi32>
        %xor3A_207 = arith.xori %iota3A, %xor3A_206 : vector<16xi32>
        %lt3A_208 = arith.constant 0 : i32
        %lt3A_209 = vector.broadcast %lt3A_208 : i32 to vector<16xi32>
        %lt3A_210 = arith.cmpi slt, %xor3A_207, %lt3A_209 : vector<16xi32>
        %add3A_211 = arith.constant 16 : i32
        %add3A_212 = vector.broadcast %add3A_211 : i32 to vector<16xi32>
        %add3A_213 = arith.addi %xor3A_207, %add3A_212 : vector<16xi32>
        %select_n3A_214 = arith.select %lt3A_210, %add3A_213, %xor3A_207 : vector<16xi1>, vector<16xi32>
        %broadcast_in_dim3A_215 = vector.shape_cast %select_n3A_214 : vector<16xi32> to vector<16x1xi32>
        %gather3A_216 = vector.shape_cast %broadcast_in_dim3A_215 : vector<16x1xi32> to vector<16xi32>
        %gather3A_217 = tpu.dynamic_gather %add3A_204[%gather3A_216] in [0] : vector<16xf32>, vector<16xi32> -> vector<16xf32>
        %add3A_218 = arith.addf %add3A_204, %gather3A_217 : vector<16xf32>
        %xor3A_219 = arith.constant 1 : i32
        %xor3A_220 = vector.broadcast %xor3A_219 : i32 to vector<16xi32>
        %xor3A_221 = arith.xori %iota3A, %xor3A_220 : vector<16xi32>
        %lt3A_222 = arith.constant 0 : i32
        %lt3A_223 = vector.broadcast %lt3A_222 : i32 to vector<16xi32>
        %lt3A_224 = arith.cmpi slt, %xor3A_221, %lt3A_223 : vector<16xi32>
        %add3A_225 = arith.constant 16 : i32
        %add3A_226 = vector.broadcast %add3A_225 : i32 to vector<16xi32>
        %add3A_227 = arith.addi %xor3A_221, %add3A_226 : vector<16xi32>
        %select_n3A_228 = arith.select %lt3A_224, %add3A_227, %xor3A_221 : vector<16xi1>, vector<16xi32>
        %broadcast_in_dim3A_229 = vector.shape_cast %select_n3A_228 : vector<16xi32> to vector<16x1xi32>
        %gather3A_230 = vector.shape_cast %broadcast_in_dim3A_229 : vector<16x1xi32> to vector<16xi32>
        %gather3A_231 = tpu.dynamic_gather %add3A_218[%gather3A_230] in [0] : vector<16xf32>, vector<16xi32> -> vector<16xf32>
        %add3A_232 = arith.addf %add3A_218, %gather3A_231 : vector<16xf32>
        %max3A = arith.maximumf %add3A_232, %broadcast_in_dim3A : vector<16xf32>
        %add3A_233 = arith.addf %scan3A_97, %max3A : vector<16xf32>
        %mul3A_234 = arith.constant 4 : i32
        %mul3A_235 = arith.muli %scan3A_96, %mul3A_234 : i32
        %add3A_236 = arith.constant 1 : i32
        %add3A_237 = arith.addi %mul3A_235, %add3A_236 : i32
        %get3A_238 = arith.index_cast %add3A_237 : i32 to index
        %get3A_239 = arith.constant 0 : index
        %get3A_240 = tpu.vector_load %arg8[%get3A_238, %get3A_239] {strides = array<i32>} : memref<80x128xf32, #tpu.memory_space<vmem>>, vector<1x16xf32>,
        %get3A_241 = vector.shape_cast %get3A_240 : vector<1x16xf32> to vector<16xf32>
        %get3A_242 = arith.index_cast %add3A_237 : i32 to index
        %get3A_243 = arith.constant 0 : index
        %get3A_244 = tpu.vector_load %arg9[%get3A_242, %get3A_243] {strides = array<i32>} : memref<80x128xf32, #tpu.memory_space<vmem>>, vector<1x16xf32>,
        %get3A_245 = vector.shape_cast %get3A_244 : vector<1x16xf32> to vector<16xf32>
        %mul3A_246 = arith.mulf %get3A_241, %get3A_245 : vector<16xf32>
        %get3A_247 = arith.index_cast %add3A_237 : i32 to index
        %get3A_248 = arith.constant 16 : index
        %get3A_249 = tpu.vector_load %arg8[%get3A_247, %get3A_248] {strides = array<i32>} : memref<80x128xf32, #tpu.memory_space<vmem>>, vector<1x16xf32>,
        %get3A_250 = vector.shape_cast %get3A_249 : vector<1x16xf32> to vector<16xf32>
        %get3A_251 = arith.index_cast %add3A_237 : i32 to index
        %get3A_252 = arith.constant 16 : index
        %get3A_253 = tpu.vector_load %arg9[%get3A_251, %get3A_252] {strides = array<i32>} : memref<80x128xf32, #tpu.memory_space<vmem>>, vector<1x16xf32>,
        %get3A_254 = vector.shape_cast %get3A_253 : vector<1x16xf32> to vector<16xf32>
        %mul3A_255 = arith.mulf %get3A_250, %get3A_254 : vector<16xf32>
        %add3A_256 = arith.addf %mul3A_246, %mul3A_255 : vector<16xf32>
        %get3A_257 = arith.index_cast %add3A_237 : i32 to index
        %get3A_258 = arith.constant 32 : index
        %get3A_259 = tpu.vector_load %arg8[%get3A_257, %get3A_258] {strides = array<i32>} : memref<80x128xf32, #tpu.memory_space<vmem>>, vector<1x16xf32>,
        %get3A_260 = vector.shape_cast %get3A_259 : vector<1x16xf32> to vector<16xf32>
        %get3A_261 = arith.index_cast %add3A_237 : i32 to index
        %get3A_262 = arith.constant 32 : index
        %get3A_263 = tpu.vector_load %arg9[%get3A_261, %get3A_262] {strides = array<i32>} : memref<80x128xf32, #tpu.memory_space<vmem>>, vector<1x16xf32>,
        %get3A_264 = vector.shape_cast %get3A_263 : vector<1x16xf32> to vector<16xf32>
        %mul3A_265 = arith.mulf %get3A_260, %get3A_264 : vector<16xf32>
        %add3A_266 = arith.addf %add3A_256, %mul3A_265 : vector<16xf32>
        %get3A_267 = arith.index_cast %add3A_237 : i32 to index
        %get3A_268 = arith.constant 48 : index
        %get3A_269 = tpu.vector_load %arg8[%get3A_267, %get3A_268] {strides = array<i32>} : memref<80x128xf32, #tpu.memory_space<vmem>>, vector<1x16xf32>,
        %get3A_270 = vector.shape_cast %get3A_269 : vector<1x16xf32> to vector<16xf32>
        %get3A_271 = arith.index_cast %add3A_237 : i32 to index
        %get3A_272 = arith.constant 48 : index
        %get3A_273 = tpu.vector_load %arg9[%get3A_271, %get3A_272] {strides = array<i32>} : memref<80x128xf32, #tpu.memory_space<vmem>>, vector<1x16xf32>,
        %get3A_274 = vector.shape_cast %get3A_273 : vector<1x16xf32> to vector<16xf32>
        %mul3A_275 = arith.mulf %get3A_270, %get3A_274 : vector<16xf32>
        %add3A_276 = arith.addf %add3A_266, %mul3A_275 : vector<16xf32>
        %get3A_277 = arith.index_cast %add3A_237 : i32 to index
        %get3A_278 = arith.constant 64 : index
        %get3A_279 = tpu.vector_load %arg8[%get3A_277, %get3A_278] {strides = array<i32>} : memref<80x128xf32, #tpu.memory_space<vmem>>, vector<1x16xf32>,
        %get3A_280 = vector.shape_cast %get3A_279 : vector<1x16xf32> to vector<16xf32>
        %get3A_281 = arith.index_cast %add3A_237 : i32 to index
        %get3A_282 = arith.constant 64 : index
        %get3A_283 = tpu.vector_load %arg9[%get3A_281, %get3A_282] {strides = array<i32>} : memref<80x128xf32, #tpu.memory_space<vmem>>, vector<1x16xf32>,
        %get3A_284 = vector.shape_cast %get3A_283 : vector<1x16xf32> to vector<16xf32>
        %mul3A_285 = arith.mulf %get3A_280, %get3A_284 : vector<16xf32>
        %add3A_286 = arith.addf %add3A_276, %mul3A_285 : vector<16xf32>
        %get3A_287 = arith.index_cast %add3A_237 : i32 to index
        %get3A_288 = arith.constant 80 : index
        %get3A_289 = tpu.vector_load %arg8[%get3A_287, %get3A_288] {strides = array<i32>} : memref<80x128xf32, #tpu.memory_space<vmem>>, vector<1x16xf32>,
        %get3A_290 = vector.shape_cast %get3A_289 : vector<1x16xf32> to vector<16xf32>
        %get3A_291 = arith.index_cast %add3A_237 : i32 to index
        %get3A_292 = arith.constant 80 : index
        %get3A_293 = tpu.vector_load %arg9[%get3A_291, %get3A_292] {strides = array<i32>} : memref<80x128xf32, #tpu.memory_space<vmem>>, vector<1x16xf32>,
        %get3A_294 = vector.shape_cast %get3A_293 : vector<1x16xf32> to vector<16xf32>
        %mul3A_295 = arith.mulf %get3A_290, %get3A_294 : vector<16xf32>
        %add3A_296 = arith.addf %add3A_286, %mul3A_295 : vector<16xf32>
        %get3A_297 = arith.index_cast %add3A_237 : i32 to index
        %get3A_298 = arith.constant 96 : index
        %get3A_299 = tpu.vector_load %arg8[%get3A_297, %get3A_298] {strides = array<i32>} : memref<80x128xf32, #tpu.memory_space<vmem>>, vector<1x16xf32>,
        %get3A_300 = vector.shape_cast %get3A_299 : vector<1x16xf32> to vector<16xf32>
        %get3A_301 = arith.index_cast %add3A_237 : i32 to index
        %get3A_302 = arith.constant 96 : index
        %get3A_303 = tpu.vector_load %arg9[%get3A_301, %get3A_302] {strides = array<i32>} : memref<80x128xf32, #tpu.memory_space<vmem>>, vector<1x16xf32>,
        %get3A_304 = vector.shape_cast %get3A_303 : vector<1x16xf32> to vector<16xf32>
        %mul3A_305 = arith.mulf %get3A_300, %get3A_304 : vector<16xf32>
        %add3A_306 = arith.addf %add3A_296, %mul3A_305 : vector<16xf32>
        %get3A_307 = arith.index_cast %add3A_237 : i32 to index
        %get3A_308 = arith.constant 112 : index
        %get3A_309 = tpu.vector_load %arg8[%get3A_307, %get3A_308] {strides = array<i32>} : memref<80x128xf32, #tpu.memory_space<vmem>>, vector<1x16xf32>,
        %get3A_310 = vector.shape_cast %get3A_309 : vector<1x16xf32> to vector<16xf32>
        %get3A_311 = arith.index_cast %add3A_237 : i32 to index
        %get3A_312 = arith.constant 112 : index
        %get3A_313 = tpu.vector_load %arg9[%get3A_311, %get3A_312] {strides = array<i32>} : memref<80x128xf32, #tpu.memory_space<vmem>>, vector<1x16xf32>,
        %get3A_314 = vector.shape_cast %get3A_313 : vector<1x16xf32> to vector<16xf32>
        %mul3A_315 = arith.mulf %get3A_310, %get3A_314 : vector<16xf32>
        %add3A_316 = arith.addf %add3A_306, %mul3A_315 : vector<16xf32>
        %xor3A_317 = arith.constant 8 : i32
        %xor3A_318 = vector.broadcast %xor3A_317 : i32 to vector<16xi32>
        %xor3A_319 = arith.xori %iota3A, %xor3A_318 : vector<16xi32>
        %lt3A_320 = arith.constant 0 : i32
        %lt3A_321 = vector.broadcast %lt3A_320 : i32 to vector<16xi32>
        %lt3A_322 = arith.cmpi slt, %xor3A_319, %lt3A_321 : vector<16xi32>
        %add3A_323 = arith.constant 16 : i32
        %add3A_324 = vector.broadcast %add3A_323 : i32 to vector<16xi32>
        %add3A_325 = arith.addi %xor3A_319, %add3A_324 : vector<16xi32>
        %select_n3A_326 = arith.select %lt3A_322, %add3A_325, %xor3A_319 : vector<16xi1>, vector<16xi32>
        %broadcast_in_dim3A_327 = vector.shape_cast %select_n3A_326 : vector<16xi32> to vector<16x1xi32>
        %gather3A_328 = vector.shape_cast %broadcast_in_dim3A_327 : vector<16x1xi32> to vector<16xi32>
        %gather3A_329 = tpu.dynamic_gather %add3A_316[%gather3A_328] in [0] : vector<16xf32>, vector<16xi32> -> vector<16xf32>
        %add3A_330 = arith.addf %add3A_316, %gather3A_329 : vector<16xf32>
        %xor3A_331 = arith.constant 4 : i32
        %xor3A_332 = vector.broadcast %xor3A_331 : i32 to vector<16xi32>
        %xor3A_333 = arith.xori %iota3A, %xor3A_332 : vector<16xi32>
        %lt3A_334 = arith.constant 0 : i32
        %lt3A_335 = vector.broadcast %lt3A_334 : i32 to vector<16xi32>
        %lt3A_336 = arith.cmpi slt, %xor3A_333, %lt3A_335 : vector<16xi32>
        %add3A_337 = arith.constant 16 : i32
        %add3A_338 = vector.broadcast %add3A_337 : i32 to vector<16xi32>
        %add3A_339 = arith.addi %xor3A_333, %add3A_338 : vector<16xi32>
        %select_n3A_340 = arith.select %lt3A_336, %add3A_339, %xor3A_333 : vector<16xi1>, vector<16xi32>
        %broadcast_in_dim3A_341 = vector.shape_cast %select_n3A_340 : vector<16xi32> to vector<16x1xi32>
        %gather3A_342 = vector.shape_cast %broadcast_in_dim3A_341 : vector<16x1xi32> to vector<16xi32>
        %gather3A_343 = tpu.dynamic_gather %add3A_330[%gather3A_342] in [0] : vector<16xf32>, vector<16xi32> -> vector<16xf32>
        %add3A_344 = arith.addf %add3A_330, %gather3A_343 : vector<16xf32>
        %xor3A_345 = arith.constant 2 : i32
        %xor3A_346 = vector.broadcast %xor3A_345 : i32 to vector<16xi32>
        %xor3A_347 = arith.xori %iota3A, %xor3A_346 : vector<16xi32>
        %lt3A_348 = arith.constant 0 : i32
        %lt3A_349 = vector.broadcast %lt3A_348 : i32 to vector<16xi32>
        %lt3A_350 = arith.cmpi slt, %xor3A_347, %lt3A_349 : vector<16xi32>
        %add3A_351 = arith.constant 16 : i32
        %add3A_352 = vector.broadcast %add3A_351 : i32 to vector<16xi32>
        %add3A_353 = arith.addi %xor3A_347, %add3A_352 : vector<16xi32>
        %select_n3A_354 = arith.select %lt3A_350, %add3A_353, %xor3A_347 : vector<16xi1>, vector<16xi32>
        %broadcast_in_dim3A_355 = vector.shape_cast %select_n3A_354 : vector<16xi32> to vector<16x1xi32>
        %gather3A_356 = vector.shape_cast %broadcast_in_dim3A_355 : vector<16x1xi32> to vector<16xi32>
        %gather3A_357 = tpu.dynamic_gather %add3A_344[%gather3A_356] in [0] : vector<16xf32>, vector<16xi32> -> vector<16xf32>
        %add3A_358 = arith.addf %add3A_344, %gather3A_357 : vector<16xf32>
        %xor3A_359 = arith.constant 1 : i32
        %xor3A_360 = vector.broadcast %xor3A_359 : i32 to vector<16xi32>
        %xor3A_361 = arith.xori %iota3A, %xor3A_360 : vector<16xi32>
        %lt3A_362 = arith.constant 0 : i32
        %lt3A_363 = vector.broadcast %lt3A_362 : i32 to vector<16xi32>
        %lt3A_364 = arith.cmpi slt, %xor3A_361, %lt3A_363 : vector<16xi32>
        %add3A_365 = arith.constant 16 : i32
        %add3A_366 = vector.broadcast %add3A_365 : i32 to vector<16xi32>
        %add3A_367 = arith.addi %xor3A_361, %add3A_366 : vector<16xi32>
        %select_n3A_368 = arith.select %lt3A_364, %add3A_367, %xor3A_361 : vector<16xi1>, vector<16xi32>
        %broadcast_in_dim3A_369 = vector.shape_cast %select_n3A_368 : vector<16xi32> to vector<16x1xi32>
        %gather3A_370 = vector.shape_cast %broadcast_in_dim3A_369 : vector<16x1xi32> to vector<16xi32>
        %gather3A_371 = tpu.dynamic_gather %add3A_358[%gather3A_370] in [0] : vector<16xf32>, vector<16xi32> -> vector<16xf32>
        %add3A_372 = arith.addf %add3A_358, %gather3A_371 : vector<16xf32>
        %max3A_373 = arith.maximumf %add3A_372, %broadcast_in_dim3A : vector<16xf32>
        %add3A_374 = arith.addf %add3A_233, %max3A_373 : vector<16xf32>
        %mul3A_375 = arith.constant 4 : i32
        %mul3A_376 = arith.muli %scan3A_96, %mul3A_375 : i32
        %add3A_377 = arith.constant 2 : i32
        %add3A_378 = arith.addi %mul3A_376, %add3A_377 : i32
        %get3A_379 = arith.index_cast %add3A_378 : i32 to index
        %get3A_380 = arith.constant 0 : index
        %get3A_381 = tpu.vector_load %arg8[%get3A_379, %get3A_380] {strides = array<i32>} : memref<80x128xf32, #tpu.memory_space<vmem>>, vector<1x16xf32>,
        %get3A_382 = vector.shape_cast %get3A_381 : vector<1x16xf32> to vector<16xf32>
        %get3A_383 = arith.index_cast %add3A_378 : i32 to index
        %get3A_384 = arith.constant 0 : index
        %get3A_385 = tpu.vector_load %arg9[%get3A_383, %get3A_384] {strides = array<i32>} : memref<80x128xf32, #tpu.memory_space<vmem>>, vector<1x16xf32>,
        %get3A_386 = vector.shape_cast %get3A_385 : vector<1x16xf32> to vector<16xf32>
        %mul3A_387 = arith.mulf %get3A_382, %get3A_386 : vector<16xf32>
        %get3A_388 = arith.index_cast %add3A_378 : i32 to index
        %get3A_389 = arith.constant 16 : index
        %get3A_390 = tpu.vector_load %arg8[%get3A_388, %get3A_389] {strides = array<i32>} : memref<80x128xf32, #tpu.memory_space<vmem>>, vector<1x16xf32>,
        %get3A_391 = vector.shape_cast %get3A_390 : vector<1x16xf32> to vector<16xf32>
        %get3A_392 = arith.index_cast %add3A_378 : i32 to index
        %get3A_393 = arith.constant 16 : index
        %get3A_394 = tpu.vector_load %arg9[%get3A_392, %get3A_393] {strides = array<i32>} : memref<80x128xf32, #tpu.memory_space<vmem>>, vector<1x16xf32>,
        %get3A_395 = vector.shape_cast %get3A_394 : vector<1x16xf32> to vector<16xf32>
        %mul3A_396 = arith.mulf %get3A_391, %get3A_395 : vector<16xf32>
        %add3A_397 = arith.addf %mul3A_387, %mul3A_396 : vector<16xf32>
        %get3A_398 = arith.index_cast %add3A_378 : i32 to index
        %get3A_399 = arith.constant 32 : index
        %get3A_400 = tpu.vector_load %arg8[%get3A_398, %get3A_399] {strides = array<i32>} : memref<80x128xf32, #tpu.memory_space<vmem>>, vector<1x16xf32>,
        %get3A_401 = vector.shape_cast %get3A_400 : vector<1x16xf32> to vector<16xf32>
        %get3A_402 = arith.index_cast %add3A_378 : i32 to index
        %get3A_403 = arith.constant 32 : index
        %get3A_404 = tpu.vector_load %arg9[%get3A_402, %get3A_403] {strides = array<i32>} : memref<80x128xf32, #tpu.memory_space<vmem>>, vector<1x16xf32>,
        %get3A_405 = vector.shape_cast %get3A_404 : vector<1x16xf32> to vector<16xf32>
        %mul3A_406 = arith.mulf %get3A_401, %get3A_405 : vector<16xf32>
        %add3A_407 = arith.addf %add3A_397, %mul3A_406 : vector<16xf32>
        %get3A_408 = arith.index_cast %add3A_378 : i32 to index
        %get3A_409 = arith.constant 48 : index
        %get3A_410 = tpu.vector_load %arg8[%get3A_408, %get3A_409] {strides = array<i32>} : memref<80x128xf32, #tpu.memory_space<vmem>>, vector<1x16xf32>,
        %get3A_411 = vector.shape_cast %get3A_410 : vector<1x16xf32> to vector<16xf32>
        %get3A_412 = arith.index_cast %add3A_378 : i32 to index
        %get3A_413 = arith.constant 48 : index
        %get3A_414 = tpu.vector_load %arg9[%get3A_412, %get3A_413] {strides = array<i32>} : memref<80x128xf32, #tpu.memory_space<vmem>>, vector<1x16xf32>,
        %get3A_415 = vector.shape_cast %get3A_414 : vector<1x16xf32> to vector<16xf32>
        %mul3A_416 = arith.mulf %get3A_411, %get3A_415 : vector<16xf32>
        %add3A_417 = arith.addf %add3A_407, %mul3A_416 : vector<16xf32>
        %get3A_418 = arith.index_cast %add3A_378 : i32 to index
        %get3A_419 = arith.constant 64 : index
        %get3A_420 = tpu.vector_load %arg8[%get3A_418, %get3A_419] {strides = array<i32>} : memref<80x128xf32, #tpu.memory_space<vmem>>, vector<1x16xf32>,
        %get3A_421 = vector.shape_cast %get3A_420 : vector<1x16xf32> to vector<16xf32>
        %get3A_422 = arith.index_cast %add3A_378 : i32 to index
        %get3A_423 = arith.constant 64 : index
        %get3A_424 = tpu.vector_load %arg9[%get3A_422, %get3A_423] {strides = array<i32>} : memref<80x128xf32, #tpu.memory_space<vmem>>, vector<1x16xf32>,
        %get3A_425 = vector.shape_cast %get3A_424 : vector<1x16xf32> to vector<16xf32>
        %mul3A_426 = arith.mulf %get3A_421, %get3A_425 : vector<16xf32>
        %add3A_427 = arith.addf %add3A_417, %mul3A_426 : vector<16xf32>
        %get3A_428 = arith.index_cast %add3A_378 : i32 to index
        %get3A_429 = arith.constant 80 : index
        %get3A_430 = tpu.vector_load %arg8[%get3A_428, %get3A_429] {strides = array<i32>} : memref<80x128xf32, #tpu.memory_space<vmem>>, vector<1x16xf32>,
        %get3A_431 = vector.shape_cast %get3A_430 : vector<1x16xf32> to vector<16xf32>
        %get3A_432 = arith.index_cast %add3A_378 : i32 to index
        %get3A_433 = arith.constant 80 : index
        %get3A_434 = tpu.vector_load %arg9[%get3A_432, %get3A_433] {strides = array<i32>} : memref<80x128xf32, #tpu.memory_space<vmem>>, vector<1x16xf32>,
        %get3A_435 = vector.shape_cast %get3A_434 : vector<1x16xf32> to vector<16xf32>
        %mul3A_436 = arith.mulf %get3A_431, %get3A_435 : vector<16xf32>
        %add3A_437 = arith.addf %add3A_427, %mul3A_436 : vector<16xf32>
        %get3A_438 = arith.index_cast %add3A_378 : i32 to index
        %get3A_439 = arith.constant 96 : index
        %get3A_440 = tpu.vector_load %arg8[%get3A_438, %get3A_439] {strides = array<i32>} : memref<80x128xf32, #tpu.memory_space<vmem>>, vector<1x16xf32>,
        %get3A_441 = vector.shape_cast %get3A_440 : vector<1x16xf32> to vector<16xf32>
        %get3A_442 = arith.index_cast %add3A_378 : i32 to index
        %get3A_443 = arith.constant 96 : index
        %get3A_444 = tpu.vector_load %arg9[%get3A_442, %get3A_443] {strides = array<i32>} : memref<80x128xf32, #tpu.memory_space<vmem>>, vector<1x16xf32>,
        %get3A_445 = vector.shape_cast %get3A_444 : vector<1x16xf32> to vector<16xf32>
        %mul3A_446 = arith.mulf %get3A_441, %get3A_445 : vector<16xf32>
        %add3A_447 = arith.addf %add3A_437, %mul3A_446 : vector<16xf32>
        %get3A_448 = arith.index_cast %add3A_378 : i32 to index
        %get3A_449 = arith.constant 112 : index
        %get3A_450 = tpu.vector_load %arg8[%get3A_448, %get3A_449] {strides = array<i32>} : memref<80x128xf32, #tpu.memory_space<vmem>>, vector<1x16xf32>,
        %get3A_451 = vector.shape_cast %get3A_450 : vector<1x16xf32> to vector<16xf32>
        %get3A_452 = arith.index_cast %add3A_378 : i32 to index
        %get3A_453 = arith.constant 112 : index
        %get3A_454 = tpu.vector_load %arg9[%get3A_452, %get3A_453] {strides = array<i32>} : memref<80x128xf32, #tpu.memory_space<vmem>>, vector<1x16xf32>,
        %get3A_455 = vector.shape_cast %get3A_454 : vector<1x16xf32> to vector<16xf32>
        %mul3A_456 = arith.mulf %get3A_451, %get3A_455 : vector<16xf32>
        %add3A_457 = arith.addf %add3A_447, %mul3A_456 : vector<16xf32>
        %xor3A_458 = arith.constant 8 : i32
        %xor3A_459 = vector.broadcast %xor3A_458 : i32 to vector<16xi32>
        %xor3A_460 = arith.xori %iota3A, %xor3A_459 : vector<16xi32>
        %lt3A_461 = arith.constant 0 : i32
        %lt3A_462 = vector.broadcast %lt3A_461 : i32 to vector<16xi32>
        %lt3A_463 = arith.cmpi slt, %xor3A_460, %lt3A_462 : vector<16xi32>
        %add3A_464 = arith.constant 16 : i32
        %add3A_465 = vector.broadcast %add3A_464 : i32 to vector<16xi32>
        %add3A_466 = arith.addi %xor3A_460, %add3A_465 : vector<16xi32>
        %select_n3A_467 = arith.select %lt3A_463, %add3A_466, %xor3A_460 : vector<16xi1>, vector<16xi32>
        %broadcast_in_dim3A_468 = vector.shape_cast %select_n3A_467 : vector<16xi32> to vector<16x1xi32>
        %gather3A_469 = vector.shape_cast %broadcast_in_dim3A_468 : vector<16x1xi32> to vector<16xi32>
        %gather3A_470 = tpu.dynamic_gather %add3A_457[%gather3A_469] in [0] : vector<16xf32>, vector<16xi32> -> vector<16xf32>
        %add3A_471 = arith.addf %add3A_457, %gather3A_470 : vector<16xf32>
        %xor3A_472 = arith.constant 4 : i32
        %xor3A_473 = vector.broadcast %xor3A_472 : i32 to vector<16xi32>
        %xor3A_474 = arith.xori %iota3A, %xor3A_473 : vector<16xi32>
        %lt3A_475 = arith.constant 0 : i32
        %lt3A_476 = vector.broadcast %lt3A_475 : i32 to vector<16xi32>
        %lt3A_477 = arith.cmpi slt, %xor3A_474, %lt3A_476 : vector<16xi32>
        %add3A_478 = arith.constant 16 : i32
        %add3A_479 = vector.broadcast %add3A_478 : i32 to vector<16xi32>
        %add3A_480 = arith.addi %xor3A_474, %add3A_479 : vector<16xi32>
        %select_n3A_481 = arith.select %lt3A_477, %add3A_480, %xor3A_474 : vector<16xi1>, vector<16xi32>
        %broadcast_in_dim3A_482 = vector.shape_cast %select_n3A_481 : vector<16xi32> to vector<16x1xi32>
        %gather3A_483 = vector.shape_cast %broadcast_in_dim3A_482 : vector<16x1xi32> to vector<16xi32>
        %gather3A_484 = tpu.dynamic_gather %add3A_471[%gather3A_483] in [0] : vector<16xf32>, vector<16xi32> -> vector<16xf32>
        %add3A_485 = arith.addf %add3A_471, %gather3A_484 : vector<16xf32>
        %xor3A_486 = arith.constant 2 : i32
        %xor3A_487 = vector.broadcast %xor3A_486 : i32 to vector<16xi32>
        %xor3A_488 = arith.xori %iota3A, %xor3A_487 : vector<16xi32>
        %lt3A_489 = arith.constant 0 : i32
        %lt3A_490 = vector.broadcast %lt3A_489 : i32 to vector<16xi32>
        %lt3A_491 = arith.cmpi slt, %xor3A_488, %lt3A_490 : vector<16xi32>
        %add3A_492 = arith.constant 16 : i32
        %add3A_493 = vector.broadcast %add3A_492 : i32 to vector<16xi32>
        %add3A_494 = arith.addi %xor3A_488, %add3A_493 : vector<16xi32>
        %select_n3A_495 = arith.select %lt3A_491, %add3A_494, %xor3A_488 : vector<16xi1>, vector<16xi32>
        %broadcast_in_dim3A_496 = vector.shape_cast %select_n3A_495 : vector<16xi32> to vector<16x1xi32>
        %gather3A_497 = vector.shape_cast %broadcast_in_dim3A_496 : vector<16x1xi32> to vector<16xi32>
        %gather3A_498 = tpu.dynamic_gather %add3A_485[%gather3A_497] in [0] : vector<16xf32>, vector<16xi32> -> vector<16xf32>
        %add3A_499 = arith.addf %add3A_485, %gather3A_498 : vector<16xf32>
        %xor3A_500 = arith.constant 1 : i32
        %xor3A_501 = vector.broadcast %xor3A_500 : i32 to vector<16xi32>
        %xor3A_502 = arith.xori %iota3A, %xor3A_501 : vector<16xi32>
        %lt3A_503 = arith.constant 0 : i32
        %lt3A_504 = vector.broadcast %lt3A_503 : i32 to vector<16xi32>
        %lt3A_505 = arith.cmpi slt, %xor3A_502, %lt3A_504 : vector<16xi32>
        %add3A_506 = arith.constant 16 : i32
        %add3A_507 = vector.broadcast %add3A_506 : i32 to vector<16xi32>
        %add3A_508 = arith.addi %xor3A_502, %add3A_507 : vector<16xi32>
        %select_n3A_509 = arith.select %lt3A_505, %add3A_508, %xor3A_502 : vector<16xi1>, vector<16xi32>
        %broadcast_in_dim3A_510 = vector.shape_cast %select_n3A_509 : vector<16xi32> to vector<16x1xi32>
        %gather3A_511 = vector.shape_cast %broadcast_in_dim3A_510 : vector<16x1xi32> to vector<16xi32>
        %gather3A_512 = tpu.dynamic_gather %add3A_499[%gather3A_511] in [0] : vector<16xf32>, vector<16xi32> -> vector<16xf32>
        %add3A_513 = arith.addf %add3A_499, %gather3A_512 : vector<16xf32>
        %max3A_514 = arith.maximumf %add3A_513, %broadcast_in_dim3A : vector<16xf32>
        %add3A_515 = arith.addf %add3A_374, %max3A_514 : vector<16xf32>
        %mul3A_516 = arith.constant 4 : i32
        %mul3A_517 = arith.muli %scan3A_96, %mul3A_516 : i32
        %add3A_518 = arith.constant 3 : i32
        %add3A_519 = arith.addi %mul3A_517, %add3A_518 : i32
        %get3A_520 = arith.index_cast %add3A_519 : i32 to index
        %get3A_521 = arith.constant 0 : index
        %get3A_522 = tpu.vector_load %arg8[%get3A_520, %get3A_521] {strides = array<i32>} : memref<80x128xf32, #tpu.memory_space<vmem>>, vector<1x16xf32>,
        %get3A_523 = vector.shape_cast %get3A_522 : vector<1x16xf32> to vector<16xf32>
        %get3A_524 = arith.index_cast %add3A_519 : i32 to index
        %get3A_525 = arith.constant 0 : index
        %get3A_526 = tpu.vector_load %arg9[%get3A_524, %get3A_525] {strides = array<i32>} : memref<80x128xf32, #tpu.memory_space<vmem>>, vector<1x16xf32>,
        %get3A_527 = vector.shape_cast %get3A_526 : vector<1x16xf32> to vector<16xf32>
        %mul3A_528 = arith.mulf %get3A_523, %get3A_527 : vector<16xf32>
        %get3A_529 = arith.index_cast %add3A_519 : i32 to index
        %get3A_530 = arith.constant 16 : index
        %get3A_531 = tpu.vector_load %arg8[%get3A_529, %get3A_530] {strides = array<i32>} : memref<80x128xf32, #tpu.memory_space<vmem>>, vector<1x16xf32>,
        %get3A_532 = vector.shape_cast %get3A_531 : vector<1x16xf32> to vector<16xf32>
        %get3A_533 = arith.index_cast %add3A_519 : i32 to index
        %get3A_534 = arith.constant 16 : index
        %get3A_535 = tpu.vector_load %arg9[%get3A_533, %get3A_534] {strides = array<i32>} : memref<80x128xf32, #tpu.memory_space<vmem>>, vector<1x16xf32>,
        %get3A_536 = vector.shape_cast %get3A_535 : vector<1x16xf32> to vector<16xf32>
        %mul3A_537 = arith.mulf %get3A_532, %get3A_536 : vector<16xf32>
        %add3A_538 = arith.addf %mul3A_528, %mul3A_537 : vector<16xf32>
        %get3A_539 = arith.index_cast %add3A_519 : i32 to index
        %get3A_540 = arith.constant 32 : index
        %get3A_541 = tpu.vector_load %arg8[%get3A_539, %get3A_540] {strides = array<i32>} : memref<80x128xf32, #tpu.memory_space<vmem>>, vector<1x16xf32>,
        %get3A_542 = vector.shape_cast %get3A_541 : vector<1x16xf32> to vector<16xf32>
        %get3A_543 = arith.index_cast %add3A_519 : i32 to index
        %get3A_544 = arith.constant 32 : index
        %get3A_545 = tpu.vector_load %arg9[%get3A_543, %get3A_544] {strides = array<i32>} : memref<80x128xf32, #tpu.memory_space<vmem>>, vector<1x16xf32>,
        %get3A_546 = vector.shape_cast %get3A_545 : vector<1x16xf32> to vector<16xf32>
        %mul3A_547 = arith.mulf %get3A_542, %get3A_546 : vector<16xf32>
        %add3A_548 = arith.addf %add3A_538, %mul3A_547 : vector<16xf32>
        %get3A_549 = arith.index_cast %add3A_519 : i32 to index
        %get3A_550 = arith.constant 48 : index
        %get3A_551 = tpu.vector_load %arg8[%get3A_549, %get3A_550] {strides = array<i32>} : memref<80x128xf32, #tpu.memory_space<vmem>>, vector<1x16xf32>,
        %get3A_552 = vector.shape_cast %get3A_551 : vector<1x16xf32> to vector<16xf32>
        %get3A_553 = arith.index_cast %add3A_519 : i32 to index
        %get3A_554 = arith.constant 48 : index
        %get3A_555 = tpu.vector_load %arg9[%get3A_553, %get3A_554] {strides = array<i32>} : memref<80x128xf32, #tpu.memory_space<vmem>>, vector<1x16xf32>,
        %get3A_556 = vector.shape_cast %get3A_555 : vector<1x16xf32> to vector<16xf32>
        %mul3A_557 = arith.mulf %get3A_552, %get3A_556 : vector<16xf32>
        %add3A_558 = arith.addf %add3A_548, %mul3A_557 : vector<16xf32>
        %get3A_559 = arith.index_cast %add3A_519 : i32 to index
        %get3A_560 = arith.constant 64 : index
        %get3A_561 = tpu.vector_load %arg8[%get3A_559, %get3A_560] {strides = array<i32>} : memref<80x128xf32, #tpu.memory_space<vmem>>, vector<1x16xf32>,
        %get3A_562 = vector.shape_cast %get3A_561 : vector<1x16xf32> to vector<16xf32>
        %get3A_563 = arith.index_cast %add3A_519 : i32 to index
        %get3A_564 = arith.constant 64 : index
        %get3A_565 = tpu.vector_load %arg9[%get3A_563, %get3A_564] {strides = array<i32>} : memref<80x128xf32, #tpu.memory_space<vmem>>, vector<1x16xf32>,
        %get3A_566 = vector.shape_cast %get3A_565 : vector<1x16xf32> to vector<16xf32>
        %mul3A_567 = arith.mulf %get3A_562, %get3A_566 : vector<16xf32>
        %add3A_568 = arith.addf %add3A_558, %mul3A_567 : vector<16xf32>
        %get3A_569 = arith.index_cast %add3A_519 : i32 to index
        %get3A_570 = arith.constant 80 : index
        %get3A_571 = tpu.vector_load %arg8[%get3A_569, %get3A_570] {strides = array<i32>} : memref<80x128xf32, #tpu.memory_space<vmem>>, vector<1x16xf32>,
        %get3A_572 = vector.shape_cast %get3A_571 : vector<1x16xf32> to vector<16xf32>
        %get3A_573 = arith.index_cast %add3A_519 : i32 to index
        %get3A_574 = arith.constant 80 : index
        %get3A_575 = tpu.vector_load %arg9[%get3A_573, %get3A_574] {strides = array<i32>} : memref<80x128xf32, #tpu.memory_space<vmem>>, vector<1x16xf32>,
        %get3A_576 = vector.shape_cast %get3A_575 : vector<1x16xf32> to vector<16xf32>
        %mul3A_577 = arith.mulf %get3A_572, %get3A_576 : vector<16xf32>
        %add3A_578 = arith.addf %add3A_568, %mul3A_577 : vector<16xf32>
        %get3A_579 = arith.index_cast %add3A_519 : i32 to index
        %get3A_580 = arith.constant 96 : index
        %get3A_581 = tpu.vector_load %arg8[%get3A_579, %get3A_580] {strides = array<i32>} : memref<80x128xf32, #tpu.memory_space<vmem>>, vector<1x16xf32>,
        %get3A_582 = vector.shape_cast %get3A_581 : vector<1x16xf32> to vector<16xf32>
        %get3A_583 = arith.index_cast %add3A_519 : i32 to index
        %get3A_584 = arith.constant 96 : index
        %get3A_585 = tpu.vector_load %arg9[%get3A_583, %get3A_584] {strides = array<i32>} : memref<80x128xf32, #tpu.memory_space<vmem>>, vector<1x16xf32>,
        %get3A_586 = vector.shape_cast %get3A_585 : vector<1x16xf32> to vector<16xf32>
        %mul3A_587 = arith.mulf %get3A_582, %get3A_586 : vector<16xf32>
        %add3A_588 = arith.addf %add3A_578, %mul3A_587 : vector<16xf32>
        %get3A_589 = arith.index_cast %add3A_519 : i32 to index
        %get3A_590 = arith.constant 112 : index
        %get3A_591 = tpu.vector_load %arg8[%get3A_589, %get3A_590] {strides = array<i32>} : memref<80x128xf32, #tpu.memory_space<vmem>>, vector<1x16xf32>,
        %get3A_592 = vector.shape_cast %get3A_591 : vector<1x16xf32> to vector<16xf32>
        %get3A_593 = arith.index_cast %add3A_519 : i32 to index
        %get3A_594 = arith.constant 112 : index
        %get3A_595 = tpu.vector_load %arg9[%get3A_593, %get3A_594] {strides = array<i32>} : memref<80x128xf32, #tpu.memory_space<vmem>>, vector<1x16xf32>,
        %get3A_596 = vector.shape_cast %get3A_595 : vector<1x16xf32> to vector<16xf32>
        %mul3A_597 = arith.mulf %get3A_592, %get3A_596 : vector<16xf32>
        %add3A_598 = arith.addf %add3A_588, %mul3A_597 : vector<16xf32>
        %xor3A_599 = arith.constant 8 : i32
        %xor3A_600 = vector.broadcast %xor3A_599 : i32 to vector<16xi32>
        %xor3A_601 = arith.xori %iota3A, %xor3A_600 : vector<16xi32>
        %lt3A_602 = arith.constant 0 : i32
        %lt3A_603 = vector.broadcast %lt3A_602 : i32 to vector<16xi32>
        %lt3A_604 = arith.cmpi slt, %xor3A_601, %lt3A_603 : vector<16xi32>
        %add3A_605 = arith.constant 16 : i32
        %add3A_606 = vector.broadcast %add3A_605 : i32 to vector<16xi32>
        %add3A_607 = arith.addi %xor3A_601, %add3A_606 : vector<16xi32>
        %select_n3A_608 = arith.select %lt3A_604, %add3A_607, %xor3A_601 : vector<16xi1>, vector<16xi32>
        %broadcast_in_dim3A_609 = vector.shape_cast %select_n3A_608 : vector<16xi32> to vector<16x1xi32>
        %gather3A_610 = vector.shape_cast %broadcast_in_dim3A_609 : vector<16x1xi32> to vector<16xi32>
        %gather3A_611 = tpu.dynamic_gather %add3A_598[%gather3A_610] in [0] : vector<16xf32>, vector<16xi32> -> vector<16xf32>
        %add3A_612 = arith.addf %add3A_598, %gather3A_611 : vector<16xf32>
        %xor3A_613 = arith.constant 4 : i32
        %xor3A_614 = vector.broadcast %xor3A_613 : i32 to vector<16xi32>
        %xor3A_615 = arith.xori %iota3A, %xor3A_614 : vector<16xi32>
        %lt3A_616 = arith.constant 0 : i32
        %lt3A_617 = vector.broadcast %lt3A_616 : i32 to vector<16xi32>
        %lt3A_618 = arith.cmpi slt, %xor3A_615, %lt3A_617 : vector<16xi32>
        %add3A_619 = arith.constant 16 : i32
        %add3A_620 = vector.broadcast %add3A_619 : i32 to vector<16xi32>
        %add3A_621 = arith.addi %xor3A_615, %add3A_620 : vector<16xi32>
        %select_n3A_622 = arith.select %lt3A_618, %add3A_621, %xor3A_615 : vector<16xi1>, vector<16xi32>
        %broadcast_in_dim3A_623 = vector.shape_cast %select_n3A_622 : vector<16xi32> to vector<16x1xi32>
        %gather3A_624 = vector.shape_cast %broadcast_in_dim3A_623 : vector<16x1xi32> to vector<16xi32>
        %gather3A_625 = tpu.dynamic_gather %add3A_612[%gather3A_624] in [0] : vector<16xf32>, vector<16xi32> -> vector<16xf32>
        %add3A_626 = arith.addf %add3A_612, %gather3A_625 : vector<16xf32>
        %xor3A_627 = arith.constant 2 : i32
        %xor3A_628 = vector.broadcast %xor3A_627 : i32 to vector<16xi32>
        %xor3A_629 = arith.xori %iota3A, %xor3A_628 : vector<16xi32>
        %lt3A_630 = arith.constant 0 : i32
        %lt3A_631 = vector.broadcast %lt3A_630 : i32 to vector<16xi32>
        %lt3A_632 = arith.cmpi slt, %xor3A_629, %lt3A_631 : vector<16xi32>
        %add3A_633 = arith.constant 16 : i32
        %add3A_634 = vector.broadcast %add3A_633 : i32 to vector<16xi32>
        %add3A_635 = arith.addi %xor3A_629, %add3A_634 : vector<16xi32>
        %select_n3A_636 = arith.select %lt3A_632, %add3A_635, %xor3A_629 : vector<16xi1>, vector<16xi32>
        %broadcast_in_dim3A_637 = vector.shape_cast %select_n3A_636 : vector<16xi32> to vector<16x1xi32>
        %gather3A_638 = vector.shape_cast %broadcast_in_dim3A_637 : vector<16x1xi32> to vector<16xi32>
        %gather3A_639 = tpu.dynamic_gather %add3A_626[%gather3A_638] in [0] : vector<16xf32>, vector<16xi32> -> vector<16xf32>
        %add3A_640 = arith.addf %add3A_626, %gather3A_639 : vector<16xf32>
        %xor3A_641 = arith.constant 1 : i32
        %xor3A_642 = vector.broadcast %xor3A_641 : i32 to vector<16xi32>
        %xor3A_643 = arith.xori %iota3A, %xor3A_642 : vector<16xi32>
        %lt3A_644 = arith.constant 0 : i32
        %lt3A_645 = vector.broadcast %lt3A_644 : i32 to vector<16xi32>
        %lt3A_646 = arith.cmpi slt, %xor3A_643, %lt3A_645 : vector<16xi32>
        %add3A_647 = arith.constant 16 : i32
        %add3A_648 = vector.broadcast %add3A_647 : i32 to vector<16xi32>
        %add3A_649 = arith.addi %xor3A_643, %add3A_648 : vector<16xi32>
        %select_n3A_650 = arith.select %lt3A_646, %add3A_649, %xor3A_643 : vector<16xi1>, vector<16xi32>
        %broadcast_in_dim3A_651 = vector.shape_cast %select_n3A_650 : vector<16xi32> to vector<16x1xi32>
        %gather3A_652 = vector.shape_cast %broadcast_in_dim3A_651 : vector<16x1xi32> to vector<16xi32>
        %gather3A_653 = tpu.dynamic_gather %add3A_640[%gather3A_652] in [0] : vector<16xf32>, vector<16xi32> -> vector<16xf32>
        %add3A_654 = arith.addf %add3A_640, %gather3A_653 : vector<16xf32>
        %max3A_655 = arith.maximumf %add3A_654, %broadcast_in_dim3A : vector<16xf32>
        %add3A_656 = arith.addf %add3A_515, %max3A_655 : vector<16xf32>
        scf.yield %add3A_656 : vector<16xf32>
      }
      %scan3A_64 = arith.constant 20 : i32
      %add3A_65 = arith.constant 2 : i32
      %add3A_66 = arith.addi %mul3A_47, %add3A_65 : i32
      %lt3A_67 = arith.constant 250 : i32
      %lt3A_68 = arith.cmpi slt, %add3A_66, %lt3A_67 : i32
      %convert_element_type3A_69 = arith.extui %lt3A_68 : i1 to i32
      %cond3A = arith.constant 0 : i32
      %cond3A_70 = arith.cmpi ne, %convert_element_type3A_69, %cond3A : i32
      scf.if %cond3A_70 {
        %add3A_96 = arith.constant 2 : i32
        %add3A_97 = arith.addi %mul3A_47, %add3A_96 : i32
        %dma_start3A_98 = arith.constant 0 : i32
        %dma_start3A_99 = tpu.memref_slice %arg6[%add3A_97, %dma_start3A_98] : memref<250x80xi32, #tpu.memory_space<vmem>> -> memref<1x80xi32, #tpu.memory_space<vmem>>
        %dma_start3A_100 = tpu.memref_squeeze %dma_start3A_99 : memref<1x80xi32, #tpu.memory_space<vmem>> -> memref<80xi32, #tpu.memory_space<vmem>>
        %dma_start3A_101 = arith.constant 0 : i32
        %dma_start3A_102 = arith.constant 0 : i32
        %dma_start3A_103 = tpu.memref_slice %arg2[%dma_start3A_101, %dma_start3A_102] : memref<10000x128xf32, #tpu.memory_space<hbm>> -> memref<10000x128xf32, #tpu.memory_space<hbm>>
        tpu.enqueue_indirect_dma source(%dma_start3A_103 : memref<10000x128xf32, #tpu.memory_space<hbm>>) target(%arg8 : memref<80x128xf32, #tpu.memory_space<vmem>>) offsets(%dma_start3A_100 : memref<80xi32, #tpu.memory_space<vmem>>) semaphore(%arg13 : memref<!tpu.dma_semaphore, #tpu.memory_space<semaphore_mem>>)
        %dma_start3A_104 = arith.constant 0 : i32
        %dma_start3A_105 = tpu.memref_slice %arg7[%add3A_97, %dma_start3A_104] : memref<250x80xi32, #tpu.memory_space<vmem>> -> memref<1x80xi32, #tpu.memory_space<vmem>>
        %dma_start3A_106 = tpu.memref_squeeze %dma_start3A_105 : memref<1x80xi32, #tpu.memory_space<vmem>> -> memref<80xi32, #tpu.memory_space<vmem>>
        %dma_start3A_107 = arith.constant 0 : i32
        %dma_start3A_108 = arith.constant 0 : i32
        %dma_start3A_109 = tpu.memref_slice %arg2[%dma_start3A_107, %dma_start3A_108] : memref<10000x128xf32, #tpu.memory_space<hbm>> -> memref<10000x128xf32, #tpu.memory_space<hbm>>
        tpu.enqueue_indirect_dma source(%dma_start3A_109 : memref<10000x128xf32, #tpu.memory_space<hbm>>) target(%arg9 : memref<80x128xf32, #tpu.memory_space<vmem>>) offsets(%dma_start3A_106 : memref<80xi32, #tpu.memory_space<vmem>>) semaphore(%arg14 : memref<!tpu.dma_semaphore, #tpu.memory_space<semaphore_mem>>)
      } else {
      }
      %dma_wait3A_71 = arith.constant 0 : i32
      %dma_wait3A_72 = arith.constant 0 : i32
      %dma_wait3A_73 = tpu.memref_slice %arg2[%dma_wait3A_71, %dma_wait3A_72] : memref<10000x128xf32, #tpu.memory_space<hbm>> -> memref<80x128xf32, #tpu.memory_space<hbm>>
      %dma_wait3A_74 = arith.constant 0 : i32
      %dma_wait3A_75 = arith.constant 0 : i32
      %dma_wait3A_76 = tpu.memref_slice %arg2[%dma_wait3A_74, %dma_wait3A_75] : memref<10000x128xf32, #tpu.memory_space<hbm>> -> memref<80x128xf32, #tpu.memory_space<hbm>>
      tpu.wait_dma2 semaphore(%arg15 : memref<!tpu.dma_semaphore, #tpu.memory_space<semaphore_mem>>) src(%dma_wait3A_76 : memref<80x128xf32, #tpu.memory_space<hbm>>) dst(%arg10 : memref<80x128xf32, #tpu.memory_space<vmem>>)
      %dma_wait3A_77 = arith.constant 0 : i32
      %dma_wait3A_78 = arith.constant 0 : i32
      %dma_wait3A_79 = tpu.memref_slice %arg2[%dma_wait3A_77, %dma_wait3A_78] : memref<10000x128xf32, #tpu.memory_space<hbm>> -> memref<80x128xf32, #tpu.memory_space<hbm>>
      %dma_wait3A_80 = arith.constant 0 : i32
      %dma_wait3A_81 = arith.constant 0 : i32
      %dma_wait3A_82 = tpu.memref_slice %arg2[%dma_wait3A_80, %dma_wait3A_81] : memref<10000x128xf32, #tpu.memory_space<hbm>> -> memref<80x128xf32, #tpu.memory_space<hbm>>
      tpu.wait_dma2 semaphore(%arg16 : memref<!tpu.dma_semaphore, #tpu.memory_space<semaphore_mem>>) src(%dma_wait3A_82 : memref<80x128xf32, #tpu.memory_space<hbm>>) dst(%arg11 : memref<80x128xf32, #tpu.memory_space<vmem>>)
      %scan3A_83 = arith.constant 0 : i32
      %scan3A_84 = arith.constant 20 : i32
      %scan3A_85 = arith.addi %scan3A_83, %scan3A_84 : i32
      %scan3A_86 = arith.constant 1 : i32
      %scan3A_87 = scf.for %scan3A_96 = %scan3A_83 to %scan3A_85 step %scan3A_86 iter_args(%scan3A_97 = %scan3A_63) -> (vector<16xf32>)  : i32 {
        %mul3A_98 = arith.constant 4 : i32
        %mul3A_99 = arith.muli %scan3A_96, %mul3A_98 : i32
        %add3A_100 = arith.constant 0 : i32
        %add3A_101 = arith.addi %mul3A_99, %add3A_100 : i32
        %get3A = arith.index_cast %add3A_101 : i32 to index
        %get3A_102 = arith.constant 0 : index
        %get3A_103 = tpu.vector_load %arg10[%get3A, %get3A_102] {strides = array<i32>} : memref<80x128xf32, #tpu.memory_space<vmem>>, vector<1x16xf32>,
        %get3A_104 = vector.shape_cast %get3A_103 : vector<1x16xf32> to vector<16xf32>
        %get3A_105 = arith.index_cast %add3A_101 : i32 to index
        %get3A_106 = arith.constant 0 : index
        %get3A_107 = tpu.vector_load %arg11[%get3A_105, %get3A_106] {strides = array<i32>} : memref<80x128xf32, #tpu.memory_space<vmem>>, vector<1x16xf32>,
        %get3A_108 = vector.shape_cast %get3A_107 : vector<1x16xf32> to vector<16xf32>
        %mul3A_109 = arith.mulf %get3A_104, %get3A_108 : vector<16xf32>
        %get3A_110 = arith.index_cast %add3A_101 : i32 to index
        %get3A_111 = arith.constant 16 : index
        %get3A_112 = tpu.vector_load %arg10[%get3A_110, %get3A_111] {strides = array<i32>} : memref<80x128xf32, #tpu.memory_space<vmem>>, vector<1x16xf32>,
        %get3A_113 = vector.shape_cast %get3A_112 : vector<1x16xf32> to vector<16xf32>
        %get3A_114 = arith.index_cast %add3A_101 : i32 to index
        %get3A_115 = arith.constant 16 : index
        %get3A_116 = tpu.vector_load %arg11[%get3A_114, %get3A_115] {strides = array<i32>} : memref<80x128xf32, #tpu.memory_space<vmem>>, vector<1x16xf32>,
        %get3A_117 = vector.shape_cast %get3A_116 : vector<1x16xf32> to vector<16xf32>
        %mul3A_118 = arith.mulf %get3A_113, %get3A_117 : vector<16xf32>
        %add3A_119 = arith.addf %mul3A_109, %mul3A_118 : vector<16xf32>
        %get3A_120 = arith.index_cast %add3A_101 : i32 to index
        %get3A_121 = arith.constant 32 : index
        %get3A_122 = tpu.vector_load %arg10[%get3A_120, %get3A_121] {strides = array<i32>} : memref<80x128xf32, #tpu.memory_space<vmem>>, vector<1x16xf32>,
        %get3A_123 = vector.shape_cast %get3A_122 : vector<1x16xf32> to vector<16xf32>
        %get3A_124 = arith.index_cast %add3A_101 : i32 to index
        %get3A_125 = arith.constant 32 : index
        %get3A_126 = tpu.vector_load %arg11[%get3A_124, %get3A_125] {strides = array<i32>} : memref<80x128xf32, #tpu.memory_space<vmem>>, vector<1x16xf32>,
        %get3A_127 = vector.shape_cast %get3A_126 : vector<1x16xf32> to vector<16xf32>
        %mul3A_128 = arith.mulf %get3A_123, %get3A_127 : vector<16xf32>
        %add3A_129 = arith.addf %add3A_119, %mul3A_128 : vector<16xf32>
        %get3A_130 = arith.index_cast %add3A_101 : i32 to index
        %get3A_131 = arith.constant 48 : index
        %get3A_132 = tpu.vector_load %arg10[%get3A_130, %get3A_131] {strides = array<i32>} : memref<80x128xf32, #tpu.memory_space<vmem>>, vector<1x16xf32>,
        %get3A_133 = vector.shape_cast %get3A_132 : vector<1x16xf32> to vector<16xf32>
        %get3A_134 = arith.index_cast %add3A_101 : i32 to index
        %get3A_135 = arith.constant 48 : index
        %get3A_136 = tpu.vector_load %arg11[%get3A_134, %get3A_135] {strides = array<i32>} : memref<80x128xf32, #tpu.memory_space<vmem>>, vector<1x16xf32>,
        %get3A_137 = vector.shape_cast %get3A_136 : vector<1x16xf32> to vector<16xf32>
        %mul3A_138 = arith.mulf %get3A_133, %get3A_137 : vector<16xf32>
        %add3A_139 = arith.addf %add3A_129, %mul3A_138 : vector<16xf32>
        %get3A_140 = arith.index_cast %add3A_101 : i32 to index
        %get3A_141 = arith.constant 64 : index
        %get3A_142 = tpu.vector_load %arg10[%get3A_140, %get3A_141] {strides = array<i32>} : memref<80x128xf32, #tpu.memory_space<vmem>>, vector<1x16xf32>,
        %get3A_143 = vector.shape_cast %get3A_142 : vector<1x16xf32> to vector<16xf32>
        %get3A_144 = arith.index_cast %add3A_101 : i32 to index
        %get3A_145 = arith.constant 64 : index
        %get3A_146 = tpu.vector_load %arg11[%get3A_144, %get3A_145] {strides = array<i32>} : memref<80x128xf32, #tpu.memory_space<vmem>>, vector<1x16xf32>,
        %get3A_147 = vector.shape_cast %get3A_146 : vector<1x16xf32> to vector<16xf32>
        %mul3A_148 = arith.mulf %get3A_143, %get3A_147 : vector<16xf32>
        %add3A_149 = arith.addf %add3A_139, %mul3A_148 : vector<16xf32>
        %get3A_150 = arith.index_cast %add3A_101 : i32 to index
        %get3A_151 = arith.constant 80 : index
        %get3A_152 = tpu.vector_load %arg10[%get3A_150, %get3A_151] {strides = array<i32>} : memref<80x128xf32, #tpu.memory_space<vmem>>, vector<1x16xf32>,
        %get3A_153 = vector.shape_cast %get3A_152 : vector<1x16xf32> to vector<16xf32>
        %get3A_154 = arith.index_cast %add3A_101 : i32 to index
        %get3A_155 = arith.constant 80 : index
        %get3A_156 = tpu.vector_load %arg11[%get3A_154, %get3A_155] {strides = array<i32>} : memref<80x128xf32, #tpu.memory_space<vmem>>, vector<1x16xf32>,
        %get3A_157 = vector.shape_cast %get3A_156 : vector<1x16xf32> to vector<16xf32>
        %mul3A_158 = arith.mulf %get3A_153, %get3A_157 : vector<16xf32>
        %add3A_159 = arith.addf %add3A_149, %mul3A_158 : vector<16xf32>
        %get3A_160 = arith.index_cast %add3A_101 : i32 to index
        %get3A_161 = arith.constant 96 : index
        %get3A_162 = tpu.vector_load %arg10[%get3A_160, %get3A_161] {strides = array<i32>} : memref<80x128xf32, #tpu.memory_space<vmem>>, vector<1x16xf32>,
        %get3A_163 = vector.shape_cast %get3A_162 : vector<1x16xf32> to vector<16xf32>
        %get3A_164 = arith.index_cast %add3A_101 : i32 to index
        %get3A_165 = arith.constant 96 : index
        %get3A_166 = tpu.vector_load %arg11[%get3A_164, %get3A_165] {strides = array<i32>} : memref<80x128xf32, #tpu.memory_space<vmem>>, vector<1x16xf32>,
        %get3A_167 = vector.shape_cast %get3A_166 : vector<1x16xf32> to vector<16xf32>
        %mul3A_168 = arith.mulf %get3A_163, %get3A_167 : vector<16xf32>
        %add3A_169 = arith.addf %add3A_159, %mul3A_168 : vector<16xf32>
        %get3A_170 = arith.index_cast %add3A_101 : i32 to index
        %get3A_171 = arith.constant 112 : index
        %get3A_172 = tpu.vector_load %arg10[%get3A_170, %get3A_171] {strides = array<i32>} : memref<80x128xf32, #tpu.memory_space<vmem>>, vector<1x16xf32>,
        %get3A_173 = vector.shape_cast %get3A_172 : vector<1x16xf32> to vector<16xf32>
        %get3A_174 = arith.index_cast %add3A_101 : i32 to index
        %get3A_175 = arith.constant 112 : index
        %get3A_176 = tpu.vector_load %arg11[%get3A_174, %get3A_175] {strides = array<i32>} : memref<80x128xf32, #tpu.memory_space<vmem>>, vector<1x16xf32>,
        %get3A_177 = vector.shape_cast %get3A_176 : vector<1x16xf32> to vector<16xf32>
        %mul3A_178 = arith.mulf %get3A_173, %get3A_177 : vector<16xf32>
        %add3A_179 = arith.addf %add3A_169, %mul3A_178 : vector<16xf32>
        %xor3A = arith.constant 8 : i32
        %xor3A_180 = vector.broadcast %xor3A : i32 to vector<16xi32>
        %xor3A_181 = arith.xori %iota3A, %xor3A_180 : vector<16xi32>
        %lt3A_182 = arith.constant 0 : i32
        %lt3A_183 = vector.broadcast %lt3A_182 : i32 to vector<16xi32>
        %lt3A_184 = arith.cmpi slt, %xor3A_181, %lt3A_183 : vector<16xi32>
        %add3A_185 = arith.constant 16 : i32
        %add3A_186 = vector.broadcast %add3A_185 : i32 to vector<16xi32>
        %add3A_187 = arith.addi %xor3A_181, %add3A_186 : vector<16xi32>
        %select_n3A = arith.select %lt3A_184, %add3A_187, %xor3A_181 : vector<16xi1>, vector<16xi32>
        %broadcast_in_dim3A_188 = vector.shape_cast %select_n3A : vector<16xi32> to vector<16x1xi32>
        %gather3A = vector.shape_cast %broadcast_in_dim3A_188 : vector<16x1xi32> to vector<16xi32>
        %gather3A_189 = tpu.dynamic_gather %add3A_179[%gather3A] in [0] : vector<16xf32>, vector<16xi32> -> vector<16xf32>
        %add3A_190 = arith.addf %add3A_179, %gather3A_189 : vector<16xf32>
        %xor3A_191 = arith.constant 4 : i32
        %xor3A_192 = vector.broadcast %xor3A_191 : i32 to vector<16xi32>
        %xor3A_193 = arith.xori %iota3A, %xor3A_192 : vector<16xi32>
        %lt3A_194 = arith.constant 0 : i32
        %lt3A_195 = vector.broadcast %lt3A_194 : i32 to vector<16xi32>
        %lt3A_196 = arith.cmpi slt, %xor3A_193, %lt3A_195 : vector<16xi32>
        %add3A_197 = arith.constant 16 : i32
        %add3A_198 = vector.broadcast %add3A_197 : i32 to vector<16xi32>
        %add3A_199 = arith.addi %xor3A_193, %add3A_198 : vector<16xi32>
        %select_n3A_200 = arith.select %lt3A_196, %add3A_199, %xor3A_193 : vector<16xi1>, vector<16xi32>
        %broadcast_in_dim3A_201 = vector.shape_cast %select_n3A_200 : vector<16xi32> to vector<16x1xi32>
        %gather3A_202 = vector.shape_cast %broadcast_in_dim3A_201 : vector<16x1xi32> to vector<16xi32>
        %gather3A_203 = tpu.dynamic_gather %add3A_190[%gather3A_202] in [0] : vector<16xf32>, vector<16xi32> -> vector<16xf32>
        %add3A_204 = arith.addf %add3A_190, %gather3A_203 : vector<16xf32>
        %xor3A_205 = arith.constant 2 : i32
        %xor3A_206 = vector.broadcast %xor3A_205 : i32 to vector<16xi32>
        %xor3A_207 = arith.xori %iota3A, %xor3A_206 : vector<16xi32>
        %lt3A_208 = arith.constant 0 : i32
        %lt3A_209 = vector.broadcast %lt3A_208 : i32 to vector<16xi32>
        %lt3A_210 = arith.cmpi slt, %xor3A_207, %lt3A_209 : vector<16xi32>
        %add3A_211 = arith.constant 16 : i32
        %add3A_212 = vector.broadcast %add3A_211 : i32 to vector<16xi32>
        %add3A_213 = arith.addi %xor3A_207, %add3A_212 : vector<16xi32>
        %select_n3A_214 = arith.select %lt3A_210, %add3A_213, %xor3A_207 : vector<16xi1>, vector<16xi32>
        %broadcast_in_dim3A_215 = vector.shape_cast %select_n3A_214 : vector<16xi32> to vector<16x1xi32>
        %gather3A_216 = vector.shape_cast %broadcast_in_dim3A_215 : vector<16x1xi32> to vector<16xi32>
        %gather3A_217 = tpu.dynamic_gather %add3A_204[%gather3A_216] in [0] : vector<16xf32>, vector<16xi32> -> vector<16xf32>
        %add3A_218 = arith.addf %add3A_204, %gather3A_217 : vector<16xf32>
        %xor3A_219 = arith.constant 1 : i32
        %xor3A_220 = vector.broadcast %xor3A_219 : i32 to vector<16xi32>
        %xor3A_221 = arith.xori %iota3A, %xor3A_220 : vector<16xi32>
        %lt3A_222 = arith.constant 0 : i32
        %lt3A_223 = vector.broadcast %lt3A_222 : i32 to vector<16xi32>
        %lt3A_224 = arith.cmpi slt, %xor3A_221, %lt3A_223 : vector<16xi32>
        %add3A_225 = arith.constant 16 : i32
        %add3A_226 = vector.broadcast %add3A_225 : i32 to vector<16xi32>
        %add3A_227 = arith.addi %xor3A_221, %add3A_226 : vector<16xi32>
        %select_n3A_228 = arith.select %lt3A_224, %add3A_227, %xor3A_221 : vector<16xi1>, vector<16xi32>
        %broadcast_in_dim3A_229 = vector.shape_cast %select_n3A_228 : vector<16xi32> to vector<16x1xi32>
        %gather3A_230 = vector.shape_cast %broadcast_in_dim3A_229 : vector<16x1xi32> to vector<16xi32>
        %gather3A_231 = tpu.dynamic_gather %add3A_218[%gather3A_230] in [0] : vector<16xf32>, vector<16xi32> -> vector<16xf32>
        %add3A_232 = arith.addf %add3A_218, %gather3A_231 : vector<16xf32>
        %max3A = arith.maximumf %add3A_232, %broadcast_in_dim3A : vector<16xf32>
        %add3A_233 = arith.addf %scan3A_97, %max3A : vector<16xf32>
        %mul3A_234 = arith.constant 4 : i32
        %mul3A_235 = arith.muli %scan3A_96, %mul3A_234 : i32
        %add3A_236 = arith.constant 1 : i32
        %add3A_237 = arith.addi %mul3A_235, %add3A_236 : i32
        %get3A_238 = arith.index_cast %add3A_237 : i32 to index
        %get3A_239 = arith.constant 0 : index
        %get3A_240 = tpu.vector_load %arg10[%get3A_238, %get3A_239] {strides = array<i32>} : memref<80x128xf32, #tpu.memory_space<vmem>>, vector<1x16xf32>,
        %get3A_241 = vector.shape_cast %get3A_240 : vector<1x16xf32> to vector<16xf32>
        %get3A_242 = arith.index_cast %add3A_237 : i32 to index
        %get3A_243 = arith.constant 0 : index
        %get3A_244 = tpu.vector_load %arg11[%get3A_242, %get3A_243] {strides = array<i32>} : memref<80x128xf32, #tpu.memory_space<vmem>>, vector<1x16xf32>,
        %get3A_245 = vector.shape_cast %get3A_244 : vector<1x16xf32> to vector<16xf32>
        %mul3A_246 = arith.mulf %get3A_241, %get3A_245 : vector<16xf32>
        %get3A_247 = arith.index_cast %add3A_237 : i32 to index
        %get3A_248 = arith.constant 16 : index
        %get3A_249 = tpu.vector_load %arg10[%get3A_247, %get3A_248] {strides = array<i32>} : memref<80x128xf32, #tpu.memory_space<vmem>>, vector<1x16xf32>,
        %get3A_250 = vector.shape_cast %get3A_249 : vector<1x16xf32> to vector<16xf32>
        %get3A_251 = arith.index_cast %add3A_237 : i32 to index
        %get3A_252 = arith.constant 16 : index
        %get3A_253 = tpu.vector_load %arg11[%get3A_251, %get3A_252] {strides = array<i32>} : memref<80x128xf32, #tpu.memory_space<vmem>>, vector<1x16xf32>,
        %get3A_254 = vector.shape_cast %get3A_253 : vector<1x16xf32> to vector<16xf32>
        %mul3A_255 = arith.mulf %get3A_250, %get3A_254 : vector<16xf32>
        %add3A_256 = arith.addf %mul3A_246, %mul3A_255 : vector<16xf32>
        %get3A_257 = arith.index_cast %add3A_237 : i32 to index
        %get3A_258 = arith.constant 32 : index
        %get3A_259 = tpu.vector_load %arg10[%get3A_257, %get3A_258] {strides = array<i32>} : memref<80x128xf32, #tpu.memory_space<vmem>>, vector<1x16xf32>,
        %get3A_260 = vector.shape_cast %get3A_259 : vector<1x16xf32> to vector<16xf32>
        %get3A_261 = arith.index_cast %add3A_237 : i32 to index
        %get3A_262 = arith.constant 32 : index
        %get3A_263 = tpu.vector_load %arg11[%get3A_261, %get3A_262] {strides = array<i32>} : memref<80x128xf32, #tpu.memory_space<vmem>>, vector<1x16xf32>,
        %get3A_264 = vector.shape_cast %get3A_263 : vector<1x16xf32> to vector<16xf32>
        %mul3A_265 = arith.mulf %get3A_260, %get3A_264 : vector<16xf32>
        %add3A_266 = arith.addf %add3A_256, %mul3A_265 : vector<16xf32>
        %get3A_267 = arith.index_cast %add3A_237 : i32 to index
        %get3A_268 = arith.constant 48 : index
        %get3A_269 = tpu.vector_load %arg10[%get3A_267, %get3A_268] {strides = array<i32>} : memref<80x128xf32, #tpu.memory_space<vmem>>, vector<1x16xf32>,
        %get3A_270 = vector.shape_cast %get3A_269 : vector<1x16xf32> to vector<16xf32>
        %get3A_271 = arith.index_cast %add3A_237 : i32 to index
        %get3A_272 = arith.constant 48 : index
        %get3A_273 = tpu.vector_load %arg11[%get3A_271, %get3A_272] {strides = array<i32>} : memref<80x128xf32, #tpu.memory_space<vmem>>, vector<1x16xf32>,
        %get3A_274 = vector.shape_cast %get3A_273 : vector<1x16xf32> to vector<16xf32>
        %mul3A_275 = arith.mulf %get3A_270, %get3A_274 : vector<16xf32>
        %add3A_276 = arith.addf %add3A_266, %mul3A_275 : vector<16xf32>
        %get3A_277 = arith.index_cast %add3A_237 : i32 to index
        %get3A_278 = arith.constant 64 : index
        %get3A_279 = tpu.vector_load %arg10[%get3A_277, %get3A_278] {strides = array<i32>} : memref<80x128xf32, #tpu.memory_space<vmem>>, vector<1x16xf32>,
        %get3A_280 = vector.shape_cast %get3A_279 : vector<1x16xf32> to vector<16xf32>
        %get3A_281 = arith.index_cast %add3A_237 : i32 to index
        %get3A_282 = arith.constant 64 : index
        %get3A_283 = tpu.vector_load %arg11[%get3A_281, %get3A_282] {strides = array<i32>} : memref<80x128xf32, #tpu.memory_space<vmem>>, vector<1x16xf32>,
        %get3A_284 = vector.shape_cast %get3A_283 : vector<1x16xf32> to vector<16xf32>
        %mul3A_285 = arith.mulf %get3A_280, %get3A_284 : vector<16xf32>
        %add3A_286 = arith.addf %add3A_276, %mul3A_285 : vector<16xf32>
        %get3A_287 = arith.index_cast %add3A_237 : i32 to index
        %get3A_288 = arith.constant 80 : index
        %get3A_289 = tpu.vector_load %arg10[%get3A_287, %get3A_288] {strides = array<i32>} : memref<80x128xf32, #tpu.memory_space<vmem>>, vector<1x16xf32>,
        %get3A_290 = vector.shape_cast %get3A_289 : vector<1x16xf32> to vector<16xf32>
        %get3A_291 = arith.index_cast %add3A_237 : i32 to index
        %get3A_292 = arith.constant 80 : index
        %get3A_293 = tpu.vector_load %arg11[%get3A_291, %get3A_292] {strides = array<i32>} : memref<80x128xf32, #tpu.memory_space<vmem>>, vector<1x16xf32>,
        %get3A_294 = vector.shape_cast %get3A_293 : vector<1x16xf32> to vector<16xf32>
        %mul3A_295 = arith.mulf %get3A_290, %get3A_294 : vector<16xf32>
        %add3A_296 = arith.addf %add3A_286, %mul3A_295 : vector<16xf32>
        %get3A_297 = arith.index_cast %add3A_237 : i32 to index
        %get3A_298 = arith.constant 96 : index
        %get3A_299 = tpu.vector_load %arg10[%get3A_297, %get3A_298] {strides = array<i32>} : memref<80x128xf32, #tpu.memory_space<vmem>>, vector<1x16xf32>,
        %get3A_300 = vector.shape_cast %get3A_299 : vector<1x16xf32> to vector<16xf32>
        %get3A_301 = arith.index_cast %add3A_237 : i32 to index
        %get3A_302 = arith.constant 96 : index
        %get3A_303 = tpu.vector_load %arg11[%get3A_301, %get3A_302] {strides = array<i32>} : memref<80x128xf32, #tpu.memory_space<vmem>>, vector<1x16xf32>,
        %get3A_304 = vector.shape_cast %get3A_303 : vector<1x16xf32> to vector<16xf32>
        %mul3A_305 = arith.mulf %get3A_300, %get3A_304 : vector<16xf32>
        %add3A_306 = arith.addf %add3A_296, %mul3A_305 : vector<16xf32>
        %get3A_307 = arith.index_cast %add3A_237 : i32 to index
        %get3A_308 = arith.constant 112 : index
        %get3A_309 = tpu.vector_load %arg10[%get3A_307, %get3A_308] {strides = array<i32>} : memref<80x128xf32, #tpu.memory_space<vmem>>, vector<1x16xf32>,
        %get3A_310 = vector.shape_cast %get3A_309 : vector<1x16xf32> to vector<16xf32>
        %get3A_311 = arith.index_cast %add3A_237 : i32 to index
        %get3A_312 = arith.constant 112 : index
        %get3A_313 = tpu.vector_load %arg11[%get3A_311, %get3A_312] {strides = array<i32>} : memref<80x128xf32, #tpu.memory_space<vmem>>, vector<1x16xf32>,
        %get3A_314 = vector.shape_cast %get3A_313 : vector<1x16xf32> to vector<16xf32>
        %mul3A_315 = arith.mulf %get3A_310, %get3A_314 : vector<16xf32>
        %add3A_316 = arith.addf %add3A_306, %mul3A_315 : vector<16xf32>
        %xor3A_317 = arith.constant 8 : i32
        %xor3A_318 = vector.broadcast %xor3A_317 : i32 to vector<16xi32>
        %xor3A_319 = arith.xori %iota3A, %xor3A_318 : vector<16xi32>
        %lt3A_320 = arith.constant 0 : i32
        %lt3A_321 = vector.broadcast %lt3A_320 : i32 to vector<16xi32>
        %lt3A_322 = arith.cmpi slt, %xor3A_319, %lt3A_321 : vector<16xi32>
        %add3A_323 = arith.constant 16 : i32
        %add3A_324 = vector.broadcast %add3A_323 : i32 to vector<16xi32>
        %add3A_325 = arith.addi %xor3A_319, %add3A_324 : vector<16xi32>
        %select_n3A_326 = arith.select %lt3A_322, %add3A_325, %xor3A_319 : vector<16xi1>, vector<16xi32>
        %broadcast_in_dim3A_327 = vector.shape_cast %select_n3A_326 : vector<16xi32> to vector<16x1xi32>
        %gather3A_328 = vector.shape_cast %broadcast_in_dim3A_327 : vector<16x1xi32> to vector<16xi32>
        %gather3A_329 = tpu.dynamic_gather %add3A_316[%gather3A_328] in [0] : vector<16xf32>, vector<16xi32> -> vector<16xf32>
        %add3A_330 = arith.addf %add3A_316, %gather3A_329 : vector<16xf32>
        %xor3A_331 = arith.constant 4 : i32
        %xor3A_332 = vector.broadcast %xor3A_331 : i32 to vector<16xi32>
        %xor3A_333 = arith.xori %iota3A, %xor3A_332 : vector<16xi32>
        %lt3A_334 = arith.constant 0 : i32
        %lt3A_335 = vector.broadcast %lt3A_334 : i32 to vector<16xi32>
        %lt3A_336 = arith.cmpi slt, %xor3A_333, %lt3A_335 : vector<16xi32>
        %add3A_337 = arith.constant 16 : i32
        %add3A_338 = vector.broadcast %add3A_337 : i32 to vector<16xi32>
        %add3A_339 = arith.addi %xor3A_333, %add3A_338 : vector<16xi32>
        %select_n3A_340 = arith.select %lt3A_336, %add3A_339, %xor3A_333 : vector<16xi1>, vector<16xi32>
        %broadcast_in_dim3A_341 = vector.shape_cast %select_n3A_340 : vector<16xi32> to vector<16x1xi32>
        %gather3A_342 = vector.shape_cast %broadcast_in_dim3A_341 : vector<16x1xi32> to vector<16xi32>
        %gather3A_343 = tpu.dynamic_gather %add3A_330[%gather3A_342] in [0] : vector<16xf32>, vector<16xi32> -> vector<16xf32>
        %add3A_344 = arith.addf %add3A_330, %gather3A_343 : vector<16xf32>
        %xor3A_345 = arith.constant 2 : i32
        %xor3A_346 = vector.broadcast %xor3A_345 : i32 to vector<16xi32>
        %xor3A_347 = arith.xori %iota3A, %xor3A_346 : vector<16xi32>
        %lt3A_348 = arith.constant 0 : i32
        %lt3A_349 = vector.broadcast %lt3A_348 : i32 to vector<16xi32>
        %lt3A_350 = arith.cmpi slt, %xor3A_347, %lt3A_349 : vector<16xi32>
        %add3A_351 = arith.constant 16 : i32
        %add3A_352 = vector.broadcast %add3A_351 : i32 to vector<16xi32>
        %add3A_353 = arith.addi %xor3A_347, %add3A_352 : vector<16xi32>
        %select_n3A_354 = arith.select %lt3A_350, %add3A_353, %xor3A_347 : vector<16xi1>, vector<16xi32>
        %broadcast_in_dim3A_355 = vector.shape_cast %select_n3A_354 : vector<16xi32> to vector<16x1xi32>
        %gather3A_356 = vector.shape_cast %broadcast_in_dim3A_355 : vector<16x1xi32> to vector<16xi32>
        %gather3A_357 = tpu.dynamic_gather %add3A_344[%gather3A_356] in [0] : vector<16xf32>, vector<16xi32> -> vector<16xf32>
        %add3A_358 = arith.addf %add3A_344, %gather3A_357 : vector<16xf32>
        %xor3A_359 = arith.constant 1 : i32
        %xor3A_360 = vector.broadcast %xor3A_359 : i32 to vector<16xi32>
        %xor3A_361 = arith.xori %iota3A, %xor3A_360 : vector<16xi32>
        %lt3A_362 = arith.constant 0 : i32
        %lt3A_363 = vector.broadcast %lt3A_362 : i32 to vector<16xi32>
        %lt3A_364 = arith.cmpi slt, %xor3A_361, %lt3A_363 : vector<16xi32>
        %add3A_365 = arith.constant 16 : i32
        %add3A_366 = vector.broadcast %add3A_365 : i32 to vector<16xi32>
        %add3A_367 = arith.addi %xor3A_361, %add3A_366 : vector<16xi32>
        %select_n3A_368 = arith.select %lt3A_364, %add3A_367, %xor3A_361 : vector<16xi1>, vector<16xi32>
        %broadcast_in_dim3A_369 = vector.shape_cast %select_n3A_368 : vector<16xi32> to vector<16x1xi32>
        %gather3A_370 = vector.shape_cast %broadcast_in_dim3A_369 : vector<16x1xi32> to vector<16xi32>
        %gather3A_371 = tpu.dynamic_gather %add3A_358[%gather3A_370] in [0] : vector<16xf32>, vector<16xi32> -> vector<16xf32>
        %add3A_372 = arith.addf %add3A_358, %gather3A_371 : vector<16xf32>
        %max3A_373 = arith.maximumf %add3A_372, %broadcast_in_dim3A : vector<16xf32>
        %add3A_374 = arith.addf %add3A_233, %max3A_373 : vector<16xf32>
        %mul3A_375 = arith.constant 4 : i32
        %mul3A_376 = arith.muli %scan3A_96, %mul3A_375 : i32
        %add3A_377 = arith.constant 2 : i32
        %add3A_378 = arith.addi %mul3A_376, %add3A_377 : i32
        %get3A_379 = arith.index_cast %add3A_378 : i32 to index
        %get3A_380 = arith.constant 0 : index
        %get3A_381 = tpu.vector_load %arg10[%get3A_379, %get3A_380] {strides = array<i32>} : memref<80x128xf32, #tpu.memory_space<vmem>>, vector<1x16xf32>,
        %get3A_382 = vector.shape_cast %get3A_381 : vector<1x16xf32> to vector<16xf32>
        %get3A_383 = arith.index_cast %add3A_378 : i32 to index
        %get3A_384 = arith.constant 0 : index
        %get3A_385 = tpu.vector_load %arg11[%get3A_383, %get3A_384] {strides = array<i32>} : memref<80x128xf32, #tpu.memory_space<vmem>>, vector<1x16xf32>,
        %get3A_386 = vector.shape_cast %get3A_385 : vector<1x16xf32> to vector<16xf32>
        %mul3A_387 = arith.mulf %get3A_382, %get3A_386 : vector<16xf32>
        %get3A_388 = arith.index_cast %add3A_378 : i32 to index
        %get3A_389 = arith.constant 16 : index
        %get3A_390 = tpu.vector_load %arg10[%get3A_388, %get3A_389] {strides = array<i32>} : memref<80x128xf32, #tpu.memory_space<vmem>>, vector<1x16xf32>,
        %get3A_391 = vector.shape_cast %get3A_390 : vector<1x16xf32> to vector<16xf32>
        %get3A_392 = arith.index_cast %add3A_378 : i32 to index
        %get3A_393 = arith.constant 16 : index
        %get3A_394 = tpu.vector_load %arg11[%get3A_392, %get3A_393] {strides = array<i32>} : memref<80x128xf32, #tpu.memory_space<vmem>>, vector<1x16xf32>,
        %get3A_395 = vector.shape_cast %get3A_394 : vector<1x16xf32> to vector<16xf32>
        %mul3A_396 = arith.mulf %get3A_391, %get3A_395 : vector<16xf32>
        %add3A_397 = arith.addf %mul3A_387, %mul3A_396 : vector<16xf32>
        %get3A_398 = arith.index_cast %add3A_378 : i32 to index
        %get3A_399 = arith.constant 32 : index
        %get3A_400 = tpu.vector_load %arg10[%get3A_398, %get3A_399] {strides = array<i32>} : memref<80x128xf32, #tpu.memory_space<vmem>>, vector<1x16xf32>,
        %get3A_401 = vector.shape_cast %get3A_400 : vector<1x16xf32> to vector<16xf32>
        %get3A_402 = arith.index_cast %add3A_378 : i32 to index
        %get3A_403 = arith.constant 32 : index
        %get3A_404 = tpu.vector_load %arg11[%get3A_402, %get3A_403] {strides = array<i32>} : memref<80x128xf32, #tpu.memory_space<vmem>>, vector<1x16xf32>,
        %get3A_405 = vector.shape_cast %get3A_404 : vector<1x16xf32> to vector<16xf32>
        %mul3A_406 = arith.mulf %get3A_401, %get3A_405 : vector<16xf32>
        %add3A_407 = arith.addf %add3A_397, %mul3A_406 : vector<16xf32>
        %get3A_408 = arith.index_cast %add3A_378 : i32 to index
        %get3A_409 = arith.constant 48 : index
        %get3A_410 = tpu.vector_load %arg10[%get3A_408, %get3A_409] {strides = array<i32>} : memref<80x128xf32, #tpu.memory_space<vmem>>, vector<1x16xf32>,
        %get3A_411 = vector.shape_cast %get3A_410 : vector<1x16xf32> to vector<16xf32>
        %get3A_412 = arith.index_cast %add3A_378 : i32 to index
        %get3A_413 = arith.constant 48 : index
        %get3A_414 = tpu.vector_load %arg11[%get3A_412, %get3A_413] {strides = array<i32>} : memref<80x128xf32, #tpu.memory_space<vmem>>, vector<1x16xf32>,
        %get3A_415 = vector.shape_cast %get3A_414 : vector<1x16xf32> to vector<16xf32>
        %mul3A_416 = arith.mulf %get3A_411, %get3A_415 : vector<16xf32>
        %add3A_417 = arith.addf %add3A_407, %mul3A_416 : vector<16xf32>
        %get3A_418 = arith.index_cast %add3A_378 : i32 to index
        %get3A_419 = arith.constant 64 : index
        %get3A_420 = tpu.vector_load %arg10[%get3A_418, %get3A_419] {strides = array<i32>} : memref<80x128xf32, #tpu.memory_space<vmem>>, vector<1x16xf32>,
        %get3A_421 = vector.shape_cast %get3A_420 : vector<1x16xf32> to vector<16xf32>
        %get3A_422 = arith.index_cast %add3A_378 : i32 to index
        %get3A_423 = arith.constant 64 : index
        %get3A_424 = tpu.vector_load %arg11[%get3A_422, %get3A_423] {strides = array<i32>} : memref<80x128xf32, #tpu.memory_space<vmem>>, vector<1x16xf32>,
        %get3A_425 = vector.shape_cast %get3A_424 : vector<1x16xf32> to vector<16xf32>
        %mul3A_426 = arith.mulf %get3A_421, %get3A_425 : vector<16xf32>
        %add3A_427 = arith.addf %add3A_417, %mul3A_426 : vector<16xf32>
        %get3A_428 = arith.index_cast %add3A_378 : i32 to index
        %get3A_429 = arith.constant 80 : index
        %get3A_430 = tpu.vector_load %arg10[%get3A_428, %get3A_429] {strides = array<i32>} : memref<80x128xf32, #tpu.memory_space<vmem>>, vector<1x16xf32>,
        %get3A_431 = vector.shape_cast %get3A_430 : vector<1x16xf32> to vector<16xf32>
        %get3A_432 = arith.index_cast %add3A_378 : i32 to index
        %get3A_433 = arith.constant 80 : index
        %get3A_434 = tpu.vector_load %arg11[%get3A_432, %get3A_433] {strides = array<i32>} : memref<80x128xf32, #tpu.memory_space<vmem>>, vector<1x16xf32>,
        %get3A_435 = vector.shape_cast %get3A_434 : vector<1x16xf32> to vector<16xf32>
        %mul3A_436 = arith.mulf %get3A_431, %get3A_435 : vector<16xf32>
        %add3A_437 = arith.addf %add3A_427, %mul3A_436 : vector<16xf32>
        %get3A_438 = arith.index_cast %add3A_378 : i32 to index
        %get3A_439 = arith.constant 96 : index
        %get3A_440 = tpu.vector_load %arg10[%get3A_438, %get3A_439] {strides = array<i32>} : memref<80x128xf32, #tpu.memory_space<vmem>>, vector<1x16xf32>,
        %get3A_441 = vector.shape_cast %get3A_440 : vector<1x16xf32> to vector<16xf32>
        %get3A_442 = arith.index_cast %add3A_378 : i32 to index
        %get3A_443 = arith.constant 96 : index
        %get3A_444 = tpu.vector_load %arg11[%get3A_442, %get3A_443] {strides = array<i32>} : memref<80x128xf32, #tpu.memory_space<vmem>>, vector<1x16xf32>,
        %get3A_445 = vector.shape_cast %get3A_444 : vector<1x16xf32> to vector<16xf32>
        %mul3A_446 = arith.mulf %get3A_441, %get3A_445 : vector<16xf32>
        %add3A_447 = arith.addf %add3A_437, %mul3A_446 : vector<16xf32>
        %get3A_448 = arith.index_cast %add3A_378 : i32 to index
        %get3A_449 = arith.constant 112 : index
        %get3A_450 = tpu.vector_load %arg10[%get3A_448, %get3A_449] {strides = array<i32>} : memref<80x128xf32, #tpu.memory_space<vmem>>, vector<1x16xf32>,
        %get3A_451 = vector.shape_cast %get3A_450 : vector<1x16xf32> to vector<16xf32>
        %get3A_452 = arith.index_cast %add3A_378 : i32 to index
        %get3A_453 = arith.constant 112 : index
        %get3A_454 = tpu.vector_load %arg11[%get3A_452, %get3A_453] {strides = array<i32>} : memref<80x128xf32, #tpu.memory_space<vmem>>, vector<1x16xf32>,
        %get3A_455 = vector.shape_cast %get3A_454 : vector<1x16xf32> to vector<16xf32>
        %mul3A_456 = arith.mulf %get3A_451, %get3A_455 : vector<16xf32>
        %add3A_457 = arith.addf %add3A_447, %mul3A_456 : vector<16xf32>
        %xor3A_458 = arith.constant 8 : i32
        %xor3A_459 = vector.broadcast %xor3A_458 : i32 to vector<16xi32>
        %xor3A_460 = arith.xori %iota3A, %xor3A_459 : vector<16xi32>
        %lt3A_461 = arith.constant 0 : i32
        %lt3A_462 = vector.broadcast %lt3A_461 : i32 to vector<16xi32>
        %lt3A_463 = arith.cmpi slt, %xor3A_460, %lt3A_462 : vector<16xi32>
        %add3A_464 = arith.constant 16 : i32
        %add3A_465 = vector.broadcast %add3A_464 : i32 to vector<16xi32>
        %add3A_466 = arith.addi %xor3A_460, %add3A_465 : vector<16xi32>
        %select_n3A_467 = arith.select %lt3A_463, %add3A_466, %xor3A_460 : vector<16xi1>, vector<16xi32>
        %broadcast_in_dim3A_468 = vector.shape_cast %select_n3A_467 : vector<16xi32> to vector<16x1xi32>
        %gather3A_469 = vector.shape_cast %broadcast_in_dim3A_468 : vector<16x1xi32> to vector<16xi32>
        %gather3A_470 = tpu.dynamic_gather %add3A_457[%gather3A_469] in [0] : vector<16xf32>, vector<16xi32> -> vector<16xf32>
        %add3A_471 = arith.addf %add3A_457, %gather3A_470 : vector<16xf32>
        %xor3A_472 = arith.constant 4 : i32
        %xor3A_473 = vector.broadcast %xor3A_472 : i32 to vector<16xi32>
        %xor3A_474 = arith.xori %iota3A, %xor3A_473 : vector<16xi32>
        %lt3A_475 = arith.constant 0 : i32
        %lt3A_476 = vector.broadcast %lt3A_475 : i32 to vector<16xi32>
        %lt3A_477 = arith.cmpi slt, %xor3A_474, %lt3A_476 : vector<16xi32>
        %add3A_478 = arith.constant 16 : i32
        %add3A_479 = vector.broadcast %add3A_478 : i32 to vector<16xi32>
        %add3A_480 = arith.addi %xor3A_474, %add3A_479 : vector<16xi32>
        %select_n3A_481 = arith.select %lt3A_477, %add3A_480, %xor3A_474 : vector<16xi1>, vector<16xi32>
        %broadcast_in_dim3A_482 = vector.shape_cast %select_n3A_481 : vector<16xi32> to vector<16x1xi32>
        %gather3A_483 = vector.shape_cast %broadcast_in_dim3A_482 : vector<16x1xi32> to vector<16xi32>
        %gather3A_484 = tpu.dynamic_gather %add3A_471[%gather3A_483] in [0] : vector<16xf32>, vector<16xi32> -> vector<16xf32>
        %add3A_485 = arith.addf %add3A_471, %gather3A_484 : vector<16xf32>
        %xor3A_486 = arith.constant 2 : i32
        %xor3A_487 = vector.broadcast %xor3A_486 : i32 to vector<16xi32>
        %xor3A_488 = arith.xori %iota3A, %xor3A_487 : vector<16xi32>
        %lt3A_489 = arith.constant 0 : i32
        %lt3A_490 = vector.broadcast %lt3A_489 : i32 to vector<16xi32>
        %lt3A_491 = arith.cmpi slt, %xor3A_488, %lt3A_490 : vector<16xi32>
        %add3A_492 = arith.constant 16 : i32
        %add3A_493 = vector.broadcast %add3A_492 : i32 to vector<16xi32>
        %add3A_494 = arith.addi %xor3A_488, %add3A_493 : vector<16xi32>
        %select_n3A_495 = arith.select %lt3A_491, %add3A_494, %xor3A_488 : vector<16xi1>, vector<16xi32>
        %broadcast_in_dim3A_496 = vector.shape_cast %select_n3A_495 : vector<16xi32> to vector<16x1xi32>
        %gather3A_497 = vector.shape_cast %broadcast_in_dim3A_496 : vector<16x1xi32> to vector<16xi32>
        %gather3A_498 = tpu.dynamic_gather %add3A_485[%gather3A_497] in [0] : vector<16xf32>, vector<16xi32> -> vector<16xf32>
        %add3A_499 = arith.addf %add3A_485, %gather3A_498 : vector<16xf32>
        %xor3A_500 = arith.constant 1 : i32
        %xor3A_501 = vector.broadcast %xor3A_500 : i32 to vector<16xi32>
        %xor3A_502 = arith.xori %iota3A, %xor3A_501 : vector<16xi32>
        %lt3A_503 = arith.constant 0 : i32
        %lt3A_504 = vector.broadcast %lt3A_503 : i32 to vector<16xi32>
        %lt3A_505 = arith.cmpi slt, %xor3A_502, %lt3A_504 : vector<16xi32>
        %add3A_506 = arith.constant 16 : i32
        %add3A_507 = vector.broadcast %add3A_506 : i32 to vector<16xi32>
        %add3A_508 = arith.addi %xor3A_502, %add3A_507 : vector<16xi32>
        %select_n3A_509 = arith.select %lt3A_505, %add3A_508, %xor3A_502 : vector<16xi1>, vector<16xi32>
        %broadcast_in_dim3A_510 = vector.shape_cast %select_n3A_509 : vector<16xi32> to vector<16x1xi32>
        %gather3A_511 = vector.shape_cast %broadcast_in_dim3A_510 : vector<16x1xi32> to vector<16xi32>
        %gather3A_512 = tpu.dynamic_gather %add3A_499[%gather3A_511] in [0] : vector<16xf32>, vector<16xi32> -> vector<16xf32>
        %add3A_513 = arith.addf %add3A_499, %gather3A_512 : vector<16xf32>
        %max3A_514 = arith.maximumf %add3A_513, %broadcast_in_dim3A : vector<16xf32>
        %add3A_515 = arith.addf %add3A_374, %max3A_514 : vector<16xf32>
        %mul3A_516 = arith.constant 4 : i32
        %mul3A_517 = arith.muli %scan3A_96, %mul3A_516 : i32
        %add3A_518 = arith.constant 3 : i32
        %add3A_519 = arith.addi %mul3A_517, %add3A_518 : i32
        %get3A_520 = arith.index_cast %add3A_519 : i32 to index
        %get3A_521 = arith.constant 0 : index
        %get3A_522 = tpu.vector_load %arg10[%get3A_520, %get3A_521] {strides = array<i32>} : memref<80x128xf32, #tpu.memory_space<vmem>>, vector<1x16xf32>,
        %get3A_523 = vector.shape_cast %get3A_522 : vector<1x16xf32> to vector<16xf32>
        %get3A_524 = arith.index_cast %add3A_519 : i32 to index
        %get3A_525 = arith.constant 0 : index
        %get3A_526 = tpu.vector_load %arg11[%get3A_524, %get3A_525] {strides = array<i32>} : memref<80x128xf32, #tpu.memory_space<vmem>>, vector<1x16xf32>,
        %get3A_527 = vector.shape_cast %get3A_526 : vector<1x16xf32> to vector<16xf32>
        %mul3A_528 = arith.mulf %get3A_523, %get3A_527 : vector<16xf32>
        %get3A_529 = arith.index_cast %add3A_519 : i32 to index
        %get3A_530 = arith.constant 16 : index
        %get3A_531 = tpu.vector_load %arg10[%get3A_529, %get3A_530] {strides = array<i32>} : memref<80x128xf32, #tpu.memory_space<vmem>>, vector<1x16xf32>,
        %get3A_532 = vector.shape_cast %get3A_531 : vector<1x16xf32> to vector<16xf32>
        %get3A_533 = arith.index_cast %add3A_519 : i32 to index
        %get3A_534 = arith.constant 16 : index
        %get3A_535 = tpu.vector_load %arg11[%get3A_533, %get3A_534] {strides = array<i32>} : memref<80x128xf32, #tpu.memory_space<vmem>>, vector<1x16xf32>,
        %get3A_536 = vector.shape_cast %get3A_535 : vector<1x16xf32> to vector<16xf32>
        %mul3A_537 = arith.mulf %get3A_532, %get3A_536 : vector<16xf32>
        %add3A_538 = arith.addf %mul3A_528, %mul3A_537 : vector<16xf32>
        %get3A_539 = arith.index_cast %add3A_519 : i32 to index
        %get3A_540 = arith.constant 32 : index
        %get3A_541 = tpu.vector_load %arg10[%get3A_539, %get3A_540] {strides = array<i32>} : memref<80x128xf32, #tpu.memory_space<vmem>>, vector<1x16xf32>,
        %get3A_542 = vector.shape_cast %get3A_541 : vector<1x16xf32> to vector<16xf32>
        %get3A_543 = arith.index_cast %add3A_519 : i32 to index
        %get3A_544 = arith.constant 32 : index
        %get3A_545 = tpu.vector_load %arg11[%get3A_543, %get3A_544] {strides = array<i32>} : memref<80x128xf32, #tpu.memory_space<vmem>>, vector<1x16xf32>,
        %get3A_546 = vector.shape_cast %get3A_545 : vector<1x16xf32> to vector<16xf32>
        %mul3A_547 = arith.mulf %get3A_542, %get3A_546 : vector<16xf32>
        %add3A_548 = arith.addf %add3A_538, %mul3A_547 : vector<16xf32>
        %get3A_549 = arith.index_cast %add3A_519 : i32 to index
        %get3A_550 = arith.constant 48 : index
        %get3A_551 = tpu.vector_load %arg10[%get3A_549, %get3A_550] {strides = array<i32>} : memref<80x128xf32, #tpu.memory_space<vmem>>, vector<1x16xf32>,
        %get3A_552 = vector.shape_cast %get3A_551 : vector<1x16xf32> to vector<16xf32>
        %get3A_553 = arith.index_cast %add3A_519 : i32 to index
        %get3A_554 = arith.constant 48 : index
        %get3A_555 = tpu.vector_load %arg11[%get3A_553, %get3A_554] {strides = array<i32>} : memref<80x128xf32, #tpu.memory_space<vmem>>, vector<1x16xf32>,
        %get3A_556 = vector.shape_cast %get3A_555 : vector<1x16xf32> to vector<16xf32>
        %mul3A_557 = arith.mulf %get3A_552, %get3A_556 : vector<16xf32>
        %add3A_558 = arith.addf %add3A_548, %mul3A_557 : vector<16xf32>
        %get3A_559 = arith.index_cast %add3A_519 : i32 to index
        %get3A_560 = arith.constant 64 : index
        %get3A_561 = tpu.vector_load %arg10[%get3A_559, %get3A_560] {strides = array<i32>} : memref<80x128xf32, #tpu.memory_space<vmem>>, vector<1x16xf32>,
        %get3A_562 = vector.shape_cast %get3A_561 : vector<1x16xf32> to vector<16xf32>
        %get3A_563 = arith.index_cast %add3A_519 : i32 to index
        %get3A_564 = arith.constant 64 : index
        %get3A_565 = tpu.vector_load %arg11[%get3A_563, %get3A_564] {strides = array<i32>} : memref<80x128xf32, #tpu.memory_space<vmem>>, vector<1x16xf32>,
        %get3A_566 = vector.shape_cast %get3A_565 : vector<1x16xf32> to vector<16xf32>
        %mul3A_567 = arith.mulf %get3A_562, %get3A_566 : vector<16xf32>
        %add3A_568 = arith.addf %add3A_558, %mul3A_567 : vector<16xf32>
        %get3A_569 = arith.index_cast %add3A_519 : i32 to index
        %get3A_570 = arith.constant 80 : index
        %get3A_571 = tpu.vector_load %arg10[%get3A_569, %get3A_570] {strides = array<i32>} : memref<80x128xf32, #tpu.memory_space<vmem>>, vector<1x16xf32>,
        %get3A_572 = vector.shape_cast %get3A_571 : vector<1x16xf32> to vector<16xf32>
        %get3A_573 = arith.index_cast %add3A_519 : i32 to index
        %get3A_574 = arith.constant 80 : index
        %get3A_575 = tpu.vector_load %arg11[%get3A_573, %get3A_574] {strides = array<i32>} : memref<80x128xf32, #tpu.memory_space<vmem>>, vector<1x16xf32>,
        %get3A_576 = vector.shape_cast %get3A_575 : vector<1x16xf32> to vector<16xf32>
        %mul3A_577 = arith.mulf %get3A_572, %get3A_576 : vector<16xf32>
        %add3A_578 = arith.addf %add3A_568, %mul3A_577 : vector<16xf32>
        %get3A_579 = arith.index_cast %add3A_519 : i32 to index
        %get3A_580 = arith.constant 96 : index
        %get3A_581 = tpu.vector_load %arg10[%get3A_579, %get3A_580] {strides = array<i32>} : memref<80x128xf32, #tpu.memory_space<vmem>>, vector<1x16xf32>,
        %get3A_582 = vector.shape_cast %get3A_581 : vector<1x16xf32> to vector<16xf32>
        %get3A_583 = arith.index_cast %add3A_519 : i32 to index
        %get3A_584 = arith.constant 96 : index
        %get3A_585 = tpu.vector_load %arg11[%get3A_583, %get3A_584] {strides = array<i32>} : memref<80x128xf32, #tpu.memory_space<vmem>>, vector<1x16xf32>,
        %get3A_586 = vector.shape_cast %get3A_585 : vector<1x16xf32> to vector<16xf32>
        %mul3A_587 = arith.mulf %get3A_582, %get3A_586 : vector<16xf32>
        %add3A_588 = arith.addf %add3A_578, %mul3A_587 : vector<16xf32>
        %get3A_589 = arith.index_cast %add3A_519 : i32 to index
        %get3A_590 = arith.constant 112 : index
        %get3A_591 = tpu.vector_load %arg10[%get3A_589, %get3A_590] {strides = array<i32>} : memref<80x128xf32, #tpu.memory_space<vmem>>, vector<1x16xf32>,
        %get3A_592 = vector.shape_cast %get3A_591 : vector<1x16xf32> to vector<16xf32>
        %get3A_593 = arith.index_cast %add3A_519 : i32 to index
        %get3A_594 = arith.constant 112 : index
        %get3A_595 = tpu.vector_load %arg11[%get3A_593, %get3A_594] {strides = array<i32>} : memref<80x128xf32, #tpu.memory_space<vmem>>, vector<1x16xf32>,
        %get3A_596 = vector.shape_cast %get3A_595 : vector<1x16xf32> to vector<16xf32>
        %mul3A_597 = arith.mulf %get3A_592, %get3A_596 : vector<16xf32>
        %add3A_598 = arith.addf %add3A_588, %mul3A_597 : vector<16xf32>
        %xor3A_599 = arith.constant 8 : i32
        %xor3A_600 = vector.broadcast %xor3A_599 : i32 to vector<16xi32>
        %xor3A_601 = arith.xori %iota3A, %xor3A_600 : vector<16xi32>
        %lt3A_602 = arith.constant 0 : i32
        %lt3A_603 = vector.broadcast %lt3A_602 : i32 to vector<16xi32>
        %lt3A_604 = arith.cmpi slt, %xor3A_601, %lt3A_603 : vector<16xi32>
        %add3A_605 = arith.constant 16 : i32
        %add3A_606 = vector.broadcast %add3A_605 : i32 to vector<16xi32>
        %add3A_607 = arith.addi %xor3A_601, %add3A_606 : vector<16xi32>
        %select_n3A_608 = arith.select %lt3A_604, %add3A_607, %xor3A_601 : vector<16xi1>, vector<16xi32>
        %broadcast_in_dim3A_609 = vector.shape_cast %select_n3A_608 : vector<16xi32> to vector<16x1xi32>
        %gather3A_610 = vector.shape_cast %broadcast_in_dim3A_609 : vector<16x1xi32> to vector<16xi32>
        %gather3A_611 = tpu.dynamic_gather %add3A_598[%gather3A_610] in [0] : vector<16xf32>, vector<16xi32> -> vector<16xf32>
        %add3A_612 = arith.addf %add3A_598, %gather3A_611 : vector<16xf32>
        %xor3A_613 = arith.constant 4 : i32
        %xor3A_614 = vector.broadcast %xor3A_613 : i32 to vector<16xi32>
        %xor3A_615 = arith.xori %iota3A, %xor3A_614 : vector<16xi32>
        %lt3A_616 = arith.constant 0 : i32
        %lt3A_617 = vector.broadcast %lt3A_616 : i32 to vector<16xi32>
        %lt3A_618 = arith.cmpi slt, %xor3A_615, %lt3A_617 : vector<16xi32>
        %add3A_619 = arith.constant 16 : i32
        %add3A_620 = vector.broadcast %add3A_619 : i32 to vector<16xi32>
        %add3A_621 = arith.addi %xor3A_615, %add3A_620 : vector<16xi32>
        %select_n3A_622 = arith.select %lt3A_618, %add3A_621, %xor3A_615 : vector<16xi1>, vector<16xi32>
        %broadcast_in_dim3A_623 = vector.shape_cast %select_n3A_622 : vector<16xi32> to vector<16x1xi32>
        %gather3A_624 = vector.shape_cast %broadcast_in_dim3A_623 : vector<16x1xi32> to vector<16xi32>
        %gather3A_625 = tpu.dynamic_gather %add3A_612[%gather3A_624] in [0] : vector<16xf32>, vector<16xi32> -> vector<16xf32>
        %add3A_626 = arith.addf %add3A_612, %gather3A_625 : vector<16xf32>
        %xor3A_627 = arith.constant 2 : i32
        %xor3A_628 = vector.broadcast %xor3A_627 : i32 to vector<16xi32>
        %xor3A_629 = arith.xori %iota3A, %xor3A_628 : vector<16xi32>
        %lt3A_630 = arith.constant 0 : i32
        %lt3A_631 = vector.broadcast %lt3A_630 : i32 to vector<16xi32>
        %lt3A_632 = arith.cmpi slt, %xor3A_629, %lt3A_631 : vector<16xi32>
        %add3A_633 = arith.constant 16 : i32
        %add3A_634 = vector.broadcast %add3A_633 : i32 to vector<16xi32>
        %add3A_635 = arith.addi %xor3A_629, %add3A_634 : vector<16xi32>
        %select_n3A_636 = arith.select %lt3A_632, %add3A_635, %xor3A_629 : vector<16xi1>, vector<16xi32>
        %broadcast_in_dim3A_637 = vector.shape_cast %select_n3A_636 : vector<16xi32> to vector<16x1xi32>
        %gather3A_638 = vector.shape_cast %broadcast_in_dim3A_637 : vector<16x1xi32> to vector<16xi32>
        %gather3A_639 = tpu.dynamic_gather %add3A_626[%gather3A_638] in [0] : vector<16xf32>, vector<16xi32> -> vector<16xf32>
        %add3A_640 = arith.addf %add3A_626, %gather3A_639 : vector<16xf32>
        %xor3A_641 = arith.constant 1 : i32
        %xor3A_642 = vector.broadcast %xor3A_641 : i32 to vector<16xi32>
        %xor3A_643 = arith.xori %iota3A, %xor3A_642 : vector<16xi32>
        %lt3A_644 = arith.constant 0 : i32
        %lt3A_645 = vector.broadcast %lt3A_644 : i32 to vector<16xi32>
        %lt3A_646 = arith.cmpi slt, %xor3A_643, %lt3A_645 : vector<16xi32>
        %add3A_647 = arith.constant 16 : i32
        %add3A_648 = vector.broadcast %add3A_647 : i32 to vector<16xi32>
        %add3A_649 = arith.addi %xor3A_643, %add3A_648 : vector<16xi32>
        %select_n3A_650 = arith.select %lt3A_646, %add3A_649, %xor3A_643 : vector<16xi1>, vector<16xi32>
        %broadcast_in_dim3A_651 = vector.shape_cast %select_n3A_650 : vector<16xi32> to vector<16x1xi32>
        %gather3A_652 = vector.shape_cast %broadcast_in_dim3A_651 : vector<16x1xi32> to vector<16xi32>
        %gather3A_653 = tpu.dynamic_gather %add3A_640[%gather3A_652] in [0] : vector<16xf32>, vector<16xi32> -> vector<16xf32>
        %add3A_654 = arith.addf %add3A_640, %gather3A_653 : vector<16xf32>
        %max3A_655 = arith.maximumf %add3A_654, %broadcast_in_dim3A : vector<16xf32>
        %add3A_656 = arith.addf %add3A_515, %max3A_655 : vector<16xf32>
        scf.yield %add3A_656 : vector<16xf32>
      }
      %scan3A_88 = arith.constant 20 : i32
      %add3A_89 = arith.constant 3 : i32
      %add3A_90 = arith.addi %mul3A_47, %add3A_89 : i32
      %lt3A_91 = arith.constant 250 : i32
      %lt3A_92 = arith.cmpi slt, %add3A_90, %lt3A_91 : i32
      %convert_element_type3A_93 = arith.extui %lt3A_92 : i1 to i32
      %cond3A_94 = arith.constant 0 : i32
      %cond3A_95 = arith.cmpi ne, %convert_element_type3A_93, %cond3A_94 : i32
      scf.if %cond3A_95 {
        %add3A_96 = arith.constant 3 : i32
        %add3A_97 = arith.addi %mul3A_47, %add3A_96 : i32
        %dma_start3A_98 = arith.constant 0 : i32
        %dma_start3A_99 = tpu.memref_slice %arg6[%add3A_97, %dma_start3A_98] : memref<250x80xi32, #tpu.memory_space<vmem>> -> memref<1x80xi32, #tpu.memory_space<vmem>>
        %dma_start3A_100 = tpu.memref_squeeze %dma_start3A_99 : memref<1x80xi32, #tpu.memory_space<vmem>> -> memref<80xi32, #tpu.memory_space<vmem>>
        %dma_start3A_101 = arith.constant 0 : i32
        %dma_start3A_102 = arith.constant 0 : i32
        %dma_start3A_103 = tpu.memref_slice %arg2[%dma_start3A_101, %dma_start3A_102] : memref<10000x128xf32, #tpu.memory_space<hbm>> -> memref<10000x128xf32, #tpu.memory_space<hbm>>
        tpu.enqueue_indirect_dma source(%dma_start3A_103 : memref<10000x128xf32, #tpu.memory_space<hbm>>) target(%arg10 : memref<80x128xf32, #tpu.memory_space<vmem>>) offsets(%dma_start3A_100 : memref<80xi32, #tpu.memory_space<vmem>>) semaphore(%arg15 : memref<!tpu.dma_semaphore, #tpu.memory_space<semaphore_mem>>)
        %dma_start3A_104 = arith.constant 0 : i32
        %dma_start3A_105 = tpu.memref_slice %arg7[%add3A_97, %dma_start3A_104] : memref<250x80xi32, #tpu.memory_space<vmem>> -> memref<1x80xi32, #tpu.memory_space<vmem>>
        %dma_start3A_106 = tpu.memref_squeeze %dma_start3A_105 : memref<1x80xi32, #tpu.memory_space<vmem>> -> memref<80xi32, #tpu.memory_space<vmem>>
        %dma_start3A_107 = arith.constant 0 : i32
        %dma_start3A_108 = arith.constant 0 : i32
        %dma_start3A_109 = tpu.memref_slice %arg2[%dma_start3A_107, %dma_start3A_108] : memref<10000x128xf32, #tpu.memory_space<hbm>> -> memref<10000x128xf32, #tpu.memory_space<hbm>>
        tpu.enqueue_indirect_dma source(%dma_start3A_109 : memref<10000x128xf32, #tpu.memory_space<hbm>>) target(%arg11 : memref<80x128xf32, #tpu.memory_space<vmem>>) offsets(%dma_start3A_106 : memref<80xi32, #tpu.memory_space<vmem>>) semaphore(%arg16 : memref<!tpu.dma_semaphore, #tpu.memory_space<semaphore_mem>>)
      } else {
      }
      scf.yield %scan3A_87 : vector<16xf32>
    }
    %scan3A_38 = arith.constant 125 : i32
    %swap3A = arith.constant 0 : i32
    %swap3A_39 = arith.index_cast %swap3A : i32 to index
    %swap3A_40 = arith.constant 0 : index
    %swap3A_41 = tpu.vector_load %arg12[%swap3A_39, %swap3A_40] {strides = array<i32>} : memref<1x16xf32, #tpu.memory_space<vmem>>, vector<1x16xf32>,
    %swap3A_42 = vector.shape_cast %swap3A_41 : vector<1x16xf32> to vector<16xf32>
    %swap3A_43 = vector.shape_cast %scan3A_37 : vector<16xf32> to vector<1x16xf32>
    tpu.vector_store %arg12[%swap3A_39, %swap3A_40], %swap3A_43 {strides = array<i32>} : memref<1x16xf32, #tpu.memory_space<vmem>>, vector<1x16xf32>,
    "tpu.region"() ({
      %run_scoped3A = tpu.sem_alloc : memref<!tpu.dma_semaphore, #tpu.memory_space<semaphore_mem>>
      %dma_start3A_44 = arith.constant 0 : i32
      %dma_start3A_45 = arith.constant 0 : i32
      %dma_start3A_46 = tpu.memref_slice %arg5[%add3A, %dma_start3A_44, %dma_start3A_45] : memref<32x1x16xf32, #tpu.memory_space<hbm>> -> memref<1x1x16xf32, #tpu.memory_space<hbm>>
      %dma_start3A_47 = tpu.memref_squeeze %dma_start3A_46 : memref<1x1x16xf32, #tpu.memory_space<hbm>> -> memref<1x16xf32, #tpu.memory_space<hbm>>
      %dma_start3A_48 = arith.constant 0 : i32
      %dma_start3A_49 = arith.constant 0 : i32
      %dma_start3A_50 = tpu.memref_slice %arg5[%add3A, %dma_start3A_48, %dma_start3A_49] : memref<32x1x16xf32, #tpu.memory_space<hbm>> -> memref<1x1x16xf32, #tpu.memory_space<hbm>>
      %dma_start3A_51 = tpu.memref_squeeze %dma_start3A_50 : memref<1x1x16xf32, #tpu.memory_space<hbm>> -> memref<1x16xf32, #tpu.memory_space<hbm>>
      tpu.enqueue_dma source(%arg12 : memref<1x16xf32, #tpu.memory_space<vmem>>) target(%dma_start3A_51 : memref<1x16xf32, #tpu.memory_space<hbm>>) target_semaphore(%run_scoped3A : memref<!tpu.dma_semaphore, #tpu.memory_space<semaphore_mem>>)
      %dma_wait3A = arith.constant 0 : i32
      %dma_wait3A_52 = arith.constant 0 : i32
      %dma_wait3A_53 = tpu.memref_slice %arg5[%add3A, %dma_wait3A, %dma_wait3A_52] : memref<32x1x16xf32, #tpu.memory_space<hbm>> -> memref<1x1x16xf32, #tpu.memory_space<hbm>>
      %dma_wait3A_54 = tpu.memref_squeeze %dma_wait3A_53 : memref<1x1x16xf32, #tpu.memory_space<hbm>> -> memref<1x16xf32, #tpu.memory_space<hbm>>
      %dma_wait3A_55 = arith.constant 0 : i32
      %dma_wait3A_56 = arith.constant 0 : i32
      %dma_wait3A_57 = tpu.memref_slice %arg5[%add3A, %dma_wait3A_55, %dma_wait3A_56] : memref<32x1x16xf32, #tpu.memory_space<hbm>> -> memref<1x1x16xf32, #tpu.memory_space<hbm>>
      %dma_wait3A_58 = tpu.memref_squeeze %dma_wait3A_57 : memref<1x1x16xf32, #tpu.memory_space<hbm>> -> memref<1x16xf32, #tpu.memory_space<hbm>>
      tpu.wait_dma2 semaphore(%run_scoped3A : memref<!tpu.dma_semaphore, #tpu.memory_space<semaphore_mem>>) src(%arg12 : memref<1x16xf32, #tpu.memory_space<vmem>>) dst(%dma_wait3A_58 : memref<1x16xf32, #tpu.memory_space<hbm>>)
      tpu.yield
    }) : () -> ()
    return
  }
}

module attributes {stable_mosaic.version = 14 : i64} {
  func.func @_norm_body(%arg0: i32, %arg1: memref<1000x128xf32, #tpu.memory_space<vmem>>, %arg2: memref<1000x128xf32, #tpu.memory_space<vmem>>) attributes {dimension_semantics = [#tpu.dimension_semantics<arbitrary>], iteration_bounds = array<i64: 10>, scalar_prefetch = 0 : i64, scratch_operands = 0 : i64, tpu.core_type = #tpu.core_type<tc>, window_params = [{transform_indices = @transform_0, window_bounds = array<i64: 1000, 128>}, {transform_indices = @transform_1, window_bounds = array<i64: 1000, 128>}]} {
    %get3A = arith.constant 0 : index
    %get3A_0 = arith.constant 0 : index
    %get3A_1 = vector.load %arg1[%get3A, %get3A_0] : memref<1000x128xf32, #tpu.memory_space<vmem>>, vector<1000x128xf32>
    %mul3A = arith.mulf %get3A_1, %get3A_1 : vector<1000x128xf32>
    %reduce_sum3A = arith.constant dense<0.000000e+00> : vector<1000xf32>
    %reduce_sum3A_2 = vector.multi_reduction <add>, %mul3A, %reduce_sum3A [1] : vector<1000x128xf32> to vector<1000xf32>
    %broadcast_in_dim3A = vector.shape_cast %reduce_sum3A_2 : vector<1000xf32> to vector<1000x1xf32>
    %sqrt3A = math.sqrt %broadcast_in_dim3A : vector<1000x1xf32>
    %max3A = arith.constant 9.99999993E-9 : f32
    %max3A_3 = vector.broadcast %max3A : f32 to vector<1000x1xf32>
    %max3A_4 = arith.maximumf %sqrt3A, %max3A_3 : vector<1000x1xf32>
    %div3A = vector.broadcast %max3A_4 : vector<1000x1xf32> to vector<1000x128xf32>
    %div3A_5 = arith.divf %get3A_1, %div3A : vector<1000x128xf32>
    %swap3A = arith.constant 0 : index
    %swap3A_6 = arith.constant 0 : index
    %swap3A_7 = vector.load %arg2[%swap3A, %swap3A_6] : memref<1000x128xf32, #tpu.memory_space<vmem>>, vector<1000x128xf32>
    tpu.vector_store %arg2[%swap3A, %swap3A_6], %div3A_5 {strides = array<i32>} : memref<1000x128xf32, #tpu.memory_space<vmem>>, vector<1000x128xf32>,
    return
  }
  func.func @transform_0(%arg0: i32) -> (i32, i32) {
    %c0_i32 = arith.constant 0 : i32
    %c0_i32_0 = arith.constant 0 : i32
    return %arg0, %c0_i32 : i32, i32
  }
  func.func @transform_1(%arg0: i32) -> (i32, i32) {
    %c0_i32 = arith.constant 0 : i32
    %c0_i32_0 = arith.constant 0 : i32
    return %arg0, %c0_i32 : i32, i32
  }
}

</mosaic_0001>

<sc_bundles>
// kernel: kernel.4.cloned.1.call-start
scs
__scs_entry_jumppad:
0x0: {  	(pc) =	sbr.rel $0x88, $3  }
0x1: {  	(tag) =	ssettag $0x0;
	lr =	simm.s32 $0x1  }
0x2: {  	[smem:$0x3F9E] =	sst lr;
	_ =	strace $0xD0000000  }
0x3: {  	_ = 	snop  }
0x4: {  	_ = 	snop  }
0x5: {  	_ = 	snop  }
0x6: {  	_ = 	snop  }
0x7: {  	_ = 	snop  }
__scs_overlays_trampoline_lowered:
0x8: {  	[smem:$0x3FAD] =	sst s0  }
0x9: {  	[smem:$0x3FAE] =	sst s1  }
0xa: {  	[smem:$0x3FAF] =	sst s2  }
0xb: {  	[smem:$0x3FB0] =	sst s3  }
0xc: {  	[smem:$0x3FB1] =	sst s4  }
0xd: {  	[smem:$0x3FB2] =	sst s5  }
0xe: {  	[smem:$0x3FB3] =	sst s6  }
0xf: {  	[smem:$0x3FB4] =	sst s7  }
0x10: {  	[smem:$0x3FB5] =	sst s8  }
0x11: {  	[smem:$0x3FB6] =	sst s9;
	s0 =	simm.s32 @!p0 $0x0  }
0x12: {  	s1 =	sld [smem:$0x3F9C];
	s0 =	simm.s32 @p0 $0x1  }
0x13: {  	[smem:$0x3FB7] =	sst s0;
	s0 =	simm.s32 @!p1 $0x0  }
0x14: {  	s2 =	sld [smem:$0x3F9B];
	s0 =	simm.s32 @p1 $0x1  }
0x15: {  	[smem:$0x3FB8] =	sst s0;
	s0 =	simm.s32 @!p2 $0x0  }
0x16: {  	s3 =	sld [smem:$0x3FDB];
	s0 =	simm.s32 @p2 $0x1  }
0x17: {  	s4 =	simm.s32 $0x1BF5;
	[smem:$0x3FBA] =	sst s0  }
0x18: {  	s0 =	sld [smem:$0x3F9D];
	_ =	swait.ge [sflag:s4], $0x0  }
0x19: {  	s7 =	sld [smem:$0x3F9E]  }
0x1a: {  	s8 =	sadd.s32 $0xFFFFE003, lr  }
0x1b: {  	s9 =	sadd.s32 $0xFFFFFEF7, lr;
	s5 =	simm.s32 $0xFFFFFFFF;
	p2 =	slt.u32 s8, $0xFFFFF086  }
0x1c: {  	p1 =	slt.u32 s9, $0xF7A;
	s5 =	simm.s32 @!p2 $0x0  }
0x1d: {  	s5 =	simm.s32 @p1 $0x1;
	p0 =	seq.s32 s7, s2  }
0x1e: {  	s7 =	smul.u32 @!p0 $0xF7A, s2;
	p2 =	seq.s32 @!p0 s5, $0x0  }
0x1f: {  	s9 =	smul.u32 $0xF7A, s1;
	s8 =	simm.s32 @!p0 $0x1BF5;
	p2 =	por !p2, p0  }
0x20: {  	[sflag:s8] =	ssyncset.s32 @!p0 $0xFFFFF086;
	s6 =	sadd.s32 @!p0 s3, s7;
	s7 =	simm.s32 @!p0 $0x108  }
0x21: {  	s3 =	sadd.s32 s3, s9;
	s6 =	sadd.s32 @!p0 $0x88, s6;
	s7 =	simm.s32 @p2 $0x1082  }
0x22: {  	[simem:s7], [sflag:s8] =	dma.local @!p0 [hbm:s6], $0xF7A  }
0x23: {  	s9 =	sor.u32 $0xD0000000, s2;
	s6 =	simm.s32 $0x108;
	_ =	swait.ge @!p0 [sflag:s8], $0x0  }
0x24: {  	s3 =	sadd.s32 $0x88, s3;
	s6 =	simm.s32 @!p1 $0x1082;
	[sflag:s4] =	ssyncset.s32 $0xFFFFF086  }
0x25: {  	[simem:s6], [sflag:s4] =	dma.local [hbm:s3], $0xF7A  }
0x26: {  	[smem:$0x3F9E] =	sst s1;
	(tag) =	ssettag s2;
	_ =	strace s9  }
0x27: {  	s1 =	sld [smem:$0x3FAE]  }
0x28: {  	s2 =	sld [smem:$0x3FAF]  }
0x29: {  	s4 =	sld [smem:$0x3FB1]  }
0x2a: {  	p0 =	seq.s32 s5, $0x0;
	s5 =	sld [smem:$0x3FB2]  }
0x2b: {  	s6 =	sld [smem:$0x3FB3]  }
0x2c: {  	s7 =	sld [smem:$0x3FB4]  }
0x2d: {  	s3 =	simm.s32 $0x108;
	s8 =	sld [smem:$0x3FB5]  }
0x2e: {  	s3 =	simm.s32 @!p0 $0x1082;
	s9 =	sld [smem:$0x3FB6]  }
0x2f: {  	lr =	sadd.s32 s0, s3;
	s0 =	sld [smem:$0x3FAD]  }
0x30: {  	s3 =	sld [smem:$0x3FB0]  }
0x31: {  	[smem:$0x3FB9] =	sst s10  }
0x32: {  	s10 =	sld [smem:$0x3FB7];
	_ =	sdelay $0x3  }
0x33: {  	p0 =	seq.s32 s10, $0x1;
	s10 =	sld [smem:$0x3FB9];
	_ =	sdelay $0x3  }
0x34: {  	[smem:$0x3FB9] =	sst s10  }
0x35: {  	s10 =	sld [smem:$0x3FB8];
	_ =	sdelay $0x3  }
0x36: {  	p1 =	seq.s32 s10, $0x1;
	s10 =	sld [smem:$0x3FB9];
	_ =	sdelay $0x3  }
0x37: {  	[smem:$0x3FB9] =	sst s10  }
0x38: {  	s10 =	sld [smem:$0x3FBA]  }
0x39: {  	_ = 	snop;
	(pc) =	sbr.ind lr, $3  }
0x3a: {  	_ = 	snop  }
0x3b: {  	_ = 	snop  }
0x3c: {  	p2 =	seq.s32 s10, $0x1;
	s10 =	sld [smem:$0x3FB9]  }
0x3d: {  	_ =	shalt  }
0x3e: {  	_ =	shalt  }
0x3f: {  	_ =	shalt  }
0x40: {  	_ =	shalt  }
0x41: {  	_ =	shalt  }
0x42: {  	_ =	shalt  }
0x43: {  	_ =	shalt  }
0x44: {  	_ =	shalt  }
0x45: {  	_ =	shalt  }
0x46: {  	_ =	shalt  }
0x47: {  	_ =	shalt  }
0x48: {  	_ =	shalt  }
0x49: {  	_ =	shalt  }
0x4a: {  	_ =	shalt  }
0x4b: {  	_ =	shalt  }
0x4c: {  	_ =	shalt  }
0x4d: {  	_ =	shalt  }
0x4e: {  	_ =	shalt  }
0x4f: {  	_ =	shalt  }
0x50: {  	_ =	shalt  }
0x51: {  	_ =	shalt  }
0x52: {  	_ =	shalt  }
0x53: {  	_ =	shalt  }
0x54: {  	_ =	shalt  }
0x55: {  	_ =	shalt  }
0x56: {  	_ =	shalt  }
0x57: {  	_ =	shalt  }
0x58: {  	_ =	shalt  }
0x59: {  	_ =	shalt  }
0x5a: {  	_ =	shalt  }
0x5b: {  	_ =	shalt  }
0x5c: {  	_ =	shalt  }
0x5d: {  	_ =	shalt  }
0x5e: {  	_ =	shalt  }
0x5f: {  	_ =	shalt  }
0x60: {  	_ =	shalt  }
0x61: {  	_ =	shalt  }
0x62: {  	_ =	shalt  }
0x63: {  	_ =	shalt  }
0x64: {  	_ =	shalt  }
0x65: {  	_ =	shalt  }
0x66: {  	_ =	shalt  }
0x67: {  	_ =	shalt  }
0x68: {  	_ =	shalt  }
0x69: {  	_ =	shalt  }
0x6a: {  	_ =	shalt  }
0x6b: {  	_ =	shalt  }
0x6c: {  	_ =	shalt  }
0x6d: {  	_ =	shalt  }
0x6e: {  	_ =	shalt  }
0x6f: {  	_ =	shalt  }
0x70: {  	_ =	shalt  }
0x71: {  	_ =	shalt  }
0x72: {  	_ =	shalt  }
0x73: {  	_ =	shalt  }
0x74: {  	_ =	shalt  }
0x75: {  	_ =	shalt  }
0x76: {  	_ =	shalt  }
0x77: {  	_ =	shalt  }
0x78: {  	_ =	shalt  }
0x79: {  	_ =	shalt  }
0x7a: {  	_ =	shalt  }
0x7b: {  	_ =	shalt  }
0x7c: {  	_ =	shalt  }
0x7d: {  	_ =	shalt  }
0x7e: {  	_ =	shalt  }
0x7f: {  	_ =	shalt  }
0x80: {  	_ =	shalt  }
0x81: {  	_ =	shalt  }
0x82: {  	_ =	shalt  }
0x83: {  	_ =	shalt  }
0x84: {  	_ =	shalt  }
0x85: {  	_ =	shalt  }
0x86: {  	_ =	shalt  }
0x87: {  	_ =	shalt  }
.Lfunc_end0:
.L_simem_size_0:
called_computation_lowered:
.L_overlay_start_0:
0x88: {  	s2 =	sld [smem:$0x3FD9]  }
0x89: {  	s3 =	sld [smem:$0x3FFE];
	_ =	sdelay $0x1  }
0x8a: {  	s1 =	srdreg.scid  }
0x8b: {  	s0 =	sand.u32 $0x1, s1  }
0x8c: {  	s16 =	sshll.u32 s0, $0xA;
	s2 =	sadd.s32 s3, s2  }
0x8d: {  	s2 =	sadd.s32 s2, s16  }
0x8e: {  	[smem:$0x3FC5] =	sst s2  }
0x8f: {  	_ = 	snop  }
0x90: {  	(tm) =	ssettm $0x1  }
0x91: {  	s17 =	sld [smem:$0x3FFB];
	_ =	sdelay $0x3  }
0x92: {  	_ =	strace s17  }
0x93: {  	s2 =	sld [smem:$0x3FFC];
	_ =	sdelay $0x3  }
0x94: {  	_ =	strace s2  }
0x95: {  	s2 =	sld [smem:$0x3FFD];
	_ =	sdelay $0x3  }
0x96: {  	_ =	strace s2  }
0x97: {  	_ =	strace $0x8FFFFFFF  }
0x98: {  	s18 =	sld [smem:$0x3FDB];
	_ =	sdelay $0x1  }
0x99: {  	s19 =	simm.s32 $_scs_section_size  }
0x9a: {  	s4 =	simm.s32 $_size__tile_overlayer_lowered;
	s5 =	simm.s32 $_tile_overlayer_lowered  }
0x9b: {  	s22 =	simm.s32 $0x1BFF;
	s21 =	sshll.u32 s5, $0x1;
	s2 =	sadd.s32 s19, s18  }
0x9c: {  	s6 =	simm.s32 $0x0;
	s20 =	sshll.u32 s4, $0x1;
	s4 =	sadd.s32 s21, s2  }
0x9d: {  	[timem:s6], [sflag:s22] =	dma.local [hbm:s4], s20  }
0x9e: {  	_ =	swait.ge [sflag:s22], s20  }
0x9f: {  	s3 =	ssub.s32 $0x0, s20;
	[sflag:s22] =	ssyncset.done $0x0  }
0xa0: {  	[sflag:s22] =	ssyncadd.s32 s3;
	_ =	sdelay $0x1  }
0xa1: {  	s23 =	simm.s32 $0x1B8B  }
0xa2: {  	_ =	swait.ge [sflag:s23], $0x1  }
0xa3: {  	[sflag:s23] =	ssyncset.done $0x0  }
0xa4: {  	s25 =	simm.s32 $0x1B8E;
	s24 =	sld [smem:$0x3FFE];
	[sflag:s23] =	ssyncadd.s32 $0xFFFFFFFF  }
0xa5: {  	s26 =	simm.s32 $execute0_lowered;
	[smem:$0x3FD2] =	sst s25  }
0xa6: {  	s4 =	sshll.u32 s26, $0x1;
	_ =	strace $0x80000046;
	[dreg:$0x1] =	wrdreg $0xFFFFFFFF  }
0xa7: {  	s28 =	simm.s32 $_size_execute0_lowered;
	s2 =	sadd.s32 s2, s4;
	[dreg:$0x0] =	wrdreg $0x0  }
0xa8: {  	s4 =	sshll.u32 s28, $0x1;
	[dreg:$0x2] =	wrdreg s2  }
0xa9: {  	[dreg:$0x3] =	wrdreg s4  }
0xaa: {  	[dreg:$0x4] =	wrdreg $0xC0  }
0xab: {  	_ =	task [dreg:s6], $0x5FFFF  }
0xac: {  	[dreg:$0x1] =	wrdreg $0xFFFFFFFF  }
0xad: {  	[dreg:$0x0] =	wrdreg $0x60  }
0xae: {  	[dreg:$0x2] =	wrdreg s24  }
0xaf: {  	[dreg:$0x3] =	wrdreg $0x9  }
0xb0: {  	_ =	task.clear_ibuf [dreg:s6], $0x4FFFF;
	_ =	strace $0x90000046  }
0xb1: {  	s29 =	simm.s32 $0x9;
	_ =	strace $0x80000048  }
0xb2: {  	_ =	swait.ge [sflag:s29], $0x1  }
0xb3: {  	[sflag:s29] =	ssyncadd.s32 $0xFFFFFFFF  }
0xb4: {  	_ =	strace $0x90000048  }
0xb5: {  	_ =	sfence  }
0xb6: {  	s30 =	sld [smem:$0x0];
	_ =	sdelay $0x2  }
0xb7: {  	s31 =	sshll.u32 s1, $0xD;
	s1 =	sshrl.u32 s1, $0x2  }
0xb8: {  	s3 =	sand.u32 $0x4000, s31;
	s1 =	sadd.s32 s1, s30  }
0xb9: {  	s0 =	sor.u32 s3, s0;
	s1 =	sshll.u32 s1, $0x11  }
0xba: {  	s0 =	sor.u32 s1, s0  }
0xbb: {  	s0 =	sadd.s32 $0x8F2B, s0  }
0xbc: {  	[sflag:s0] =	ssyncadd.remote.s32 $0x1  }
0xbd: {  	_ =	sfence.sel $0xFFFF  }
0xbe: {  	[dreg:$0x0] =	wrdreg $0xFFFFFFFF;
	(pc) =	sbr.abs _section_cstart, $3  }
0xbf: {  	[dreg:$0x1] =	wrdreg $0xFFFFFFFF  }
0xc0: {  	_ =	task.clear_ibuf [dreg:s6], $0x2FFFF;
	_ =	strace $0x9FFFFFFF  }
0xc1: {  	(tm) =	ssettm $0x7FFFFFFF  }
tec
execute0_lowered:
.L_overlay_start_1:
0x0: {  	(tag) =	ssettag $0x1  }
0x1: {  	s2 =	rddreg [dreg:$0x0]  }
0x2: {  	s0 =	rddreg [dreg:$0x1]  }
0x3: {  	s4 =	srdreg.scid;
	s1 =	stileid.u32;
	v0 =	vimm.s32 $0xFEDCBA98;
	v1 =	vimm.s32 $0x76543210;
	v2 =	vimm.s32 $0xBA98FEDC  }
0x4: {  	s3 =	simm.s32 $0x0;
	v3 =	vimm.s32 $0x32107654;
	v4 =	vimm.s32 $0xDCFE98BA;
	s17 =	simm.f32 $-4.000000000e+00;
	s10 =	simm.s32 $0x50  }
0x5: {  	v5 =	vimm.s32 $0x54761032;
	v6 =	vimm.s32 $0xEFCDAB89;
	s11 =	simm.s32 $0x10000;
	s12 =	simm.s32 $0x12800;
	s13 =	simm.s32 $0x80  }
0x6: {  	v7 =	vimm.s32 $0x67452301;
	s14 =	simm.s32 $0x15000;
	s15 =	simm.s32 $0x8080;
	s16 =	simm.s32 $0x17800  }
0x7: {  	s18 =	simm.s32 $0x2;
	s19 =	simm.s32 $0x3;
	s20 =	simm.s32 $0x4;
	v0 =	vunpack.c.l.s4.s8 v0;
	v1 =	vunpack.c.l.s4.s8 v1;
	v2 =	vunpack.c.l.s4.s8 v2  }
0x8: {  	s21 =	simm.s32 $0x1A000;
	s22 =	simm.s32 $0x0;
	s4 =	sand.u32 $0x1, s4;
	v3 =	vunpack.c.l.s4.s8 v3;
	v4 =	vunpack.c.l.s4.s8 v4;
	v5 =	vunpack.c.l.s4.s8 v5  }
0x9: {  	s5 =	sshll.u32 s1, $0x1;
	[smem:$0x7FF] =	sst s3;
	p0 =	slt.u32 s1, $0x8;
	v6 =	vunpack.c.l.s4.s8 v6;
	v7 =	vunpack.c.l.s4.s8 v7;
	v0 =	vunpack.c.0.s8.s32 v0  }
0xa: {  	s5 =	sor.u32 s4, s5;
	_ =	strace $0x80000047;
	s7 =	ssub.s32 $0x2, s4;
	v2 =	vunpack.c.0.s8.s32 v2;
	v3 =	vunpack.c.0.s8.s32 v3;
	v4 =	vunpack.c.0.s8.s32 v4  }
.Ltmp0:
0xb: {  	s17 =	simm.s32 @!p0 $0x80000000;
	s6 =	sshll.u32 s5, $0xC;
	v5 =	vunpack.c.0.s8.s32 v5;
	v6 =	vunpack.c.0.s8.s32 v6;
	v7 =	vunpack.c.0.s8.s32 v7;
	(pc) =	sbr.rel .LBB2_1-.Ltmp0, $4  }
0xc: {  	s5 =	sshll.u32 s5, $0x4;
	s8 =	sshrl.u32 s7, $0x1;
	v1 =	vunpack.c.0.s8.s32 v1;
	s6 =	sadd.s32 s6, s2;
	v2 =	vcombine.low v3, v2  }
0xd: {  	s9 =	sadd.s32 s5, s2;
	s7 =	ssub.s32 s7, s8;
	s8 =	simm.s32 $0x5;
	v3 =	vcombine.low v5, v4;
	v4 =	vand.u32 $0xF, v0;
	v5 =	vcombine.low v7, v6  }
0xe: {  	s4 =	sadd.s32 $0x27200, s6;
	s5 =	sadd.s32 $0x47200, s6;
	s6 =	sadd.s32 $0x67200, s9;
	v0 =	vmov s17;
	v1 =	vcombine.low v4, v1  }
0xf: {  	s7 =	smax.u32 s7, $0x1;
	s9 =	simm.s32 $0x8000;
	s17 =	simm.s32 $0x1;
	v2 =	vand.u32 $0xF, v2;
	v3 =	vand.u32 $0xF, v3;
	v4 =	vand.u32 $0xF, v5  }
.LBB2_8:
0x10: {  	s22 =	sadd.s32 $0x1, s22  }
0x11: {  	p0 =	sne.s32 s22, s7  }
.Ltmp1:
0x12: {  	[tilespmem:$0x1A000] =	vst v6;
	(pc) =	sbr.rel @!p0 .LBB2_9-.Ltmp1, $4  }
0x13: {  	[hbm4b:s6+s3] =	stream.linear.scatter [tilespmem:s21], [sflag:$0x5], $0x80, $0x38;
	[tilespmem:$0x1A080] =	vst v63  }
0x14: {  	_ =	swait.ge [sflag:s8], $0x80  }
0x15: {  	[sflag:s8] =	ssyncset.done $0x0  }
0x16: {  	[sflag:s8] =	ssyncadd.s32 $0xFFFFFF80  }
.LBB2_1:
0x17: {  	[tilespmem:s3], [sflag:$0x5] =	stream.linear.gather [hbm4b:s4+s3], $0x7D00, $0x38;
	[tilespmem:$0x1A080] =	vst v63  }
0x18: {  	_ =	swait.ge [sflag:s8], $0x7D00  }
0x19: {  	[sflag:s8] =	ssyncset.done $0x0  }
0x1a: {  	[sflag:s8] =	ssyncadd.s32 $0xFFFF8300  }
0x1b: {  	[tilespmem:s9], [sflag:$0x5] =	stream.linear.gather [hbm4b:s5+s3], $0x7D00, $0x38;
	[tilespmem:$0x1A080] =	vst v63  }
0x1c: {  	_ =	swait.ge [sflag:s8], $0x7D00  }
0x1d: {  	[sflag:s8] =	ssyncset.done $0x0  }
0x1e: {  	[sflag:s8] =	ssyncadd.s32 $0xFFFF8300  }
0x1f: {  	[tilespmem:s11], [sflag:$0x1] =	stream.indirect.gather [hbm4b:s2+s10], $0x80, s3, s10, $0xb8;
	[tilespmem:$0x1A080] =	vst v63  }
0x20: {  	_ = 	snop  }
0x21: {  	[tilespmem:s12], [sflag:$0x2] =	stream.indirect.gather [hbm4b:s2+s10], $0x80, s9, s10, $0xb8;
	[tilespmem:$0x1A080] =	vst v63  }
0x22: {  	_ = 	snop  }
0x23: {  	[tilespmem:s14], [sflag:$0x3] =	stream.indirect.gather [hbm4b:s2+s10], $0x80, s13, s10, $0xb8;
	[tilespmem:$0x1A080] =	vst v63  }
0x24: {  	s23 =	simm.s32 $0x0  }
0x25: {  	v6 =	vimm.f32 $0.0e+00;
	[tilespmem:s16], [sflag:$0x4] =	stream.indirect.gather [hbm4b:s2+s10], $0x80, s15, s10, $0xb8;
	[tilespmem:$0x1A080] =	vst v63  }
.LBB2_2:
0x26: {  	_ =	swait.ge [sflag:s17], $0x2800  }
0x27: {  	[sflag:s17] =	ssyncset.done $0x0  }
0x28: {  	[sflag:s17] =	ssyncadd.s32 $0xFFFFD800  }
0x29: {  	_ =	swait.ge [sflag:s18], $0x2800  }
0x2a: {  	[sflag:s18] =	ssyncset.done $0x0  }
0x2b: {  	s25 =	simm.s32 $0x0;
	[sflag:s18] =	ssyncadd.s32 $0xFFFFD800  }
0x2c: {  	v12 =	vld [tilespmem:s25+$0x10170]  }
0x2d: {  	v14 =	vld [tilespmem:s25+$0x12970]  }
0x2e: {  	v11 =	vld [tilespmem:s25+$0x101E0]  }
0x2f: {  	v5 =	vld [tilespmem:s25+$0x100F0]  }
0x30: {  	v8 =	vld [tilespmem:s25+$0x128F0]  }
0x31: {  	v15 =	vld [tilespmem:s25+$0x10160]  }
0x32: {  	v16 =	vld [tilespmem:s25+$0x101D0]  }
0x33: {  	v9 =	vld [tilespmem:s25+$0x10070]  }
0x34: {  	v10 =	vld [tilespmem:s25+$0x12870]  }
0x35: {  	v18 =	vld [tilespmem:s25+$0x100E0]  }
0x36: {  	v13 =	vld [tilespmem:s25+$0x10150]  }
0x37: {  	v17 =	vld [tilespmem:s25+$0x12950]  }
0x38: {  	v20 =	vld [tilespmem:s25+$0x101C0]  }
0x39: {  	v21 =	vld [tilespmem:s25+$0x10060]  }
0x3a: {  	v23 =	vld [tilespmem:s25+$0x12860]  }
0x3b: {  	v22 =	vld [tilespmem:s25+$0x100D0]  }
0x3c: {  	v24 =	vld [tilespmem:s25+$0x10140]  }
0x3d: {  	v25 =	vld [tilespmem:s25+$0x12940]  }
0x3e: {  	v19 =	vld [tilespmem:s25+$0x101B0]  }
0x3f: {  	v26 =	vld [tilespmem:s25+$0x10050]  }
0x40: {  	v33 =	vld [tilespmem:s25+$0x12850]  }
0x41: {  	v27 =	vld [tilespmem:s25+$0x100C0]  }
0x42: {  	v34 =	vld [tilespmem:s25+$0x10130]  }
0x43: {  	v36 =	vld [tilespmem:s25+$0x12930]  }
0x44: {  	v29 =	vld [tilespmem:s25+$0x101A0]  }
0x45: {  	v37 =	vld [tilespmem:s25+$0x10040]  }
0x46: {  	v38 =	vld [tilespmem:s25+$0x12840]  }
0x47: {  	v30 =	vld [tilespmem:s25+$0x100B0]  }
0x48: {  	v41 =	vld [tilespmem:s25+$0x10120]  }
0x49: {  	v44 =	vld [tilespmem:s25+$0x12920]  }
0x4a: {  	v28 =	vld [tilespmem:s25+$0x10180]  }
0x4b: {  	v31 =	vld [tilespmem:s25+$0x12980]  }
0x4c: {  	v32 =	vld [tilespmem:s25+$0x10190]  }
0x4d: {  	v43 =	vld [tilespmem:s25+$0x10030]  }
0x4e: {  	v45 =	vld [tilespmem:s25+$0x12830]  }
0x4f: {  	v35 =	vld [tilespmem:s25+$0x100A0]  }
0x50: {  	v39 =	vld [tilespmem:s25+$0x10100]  }
0x51: {  	v40 =	vld [tilespmem:s25+$0x12900]  }
0x52: {  	v42 =	vld [tilespmem:s25+$0x10110]  }
0x53: {  	v47 =	vld [tilespmem:s25+$0x10020]  }
0x54: {  	v49 =	vld [tilespmem:s25+$0x12820]  }
0x55: {  	v46 =	vld [tilespmem:s25+$0x10080]  }
0x56: {  	v48 =	vld [tilespmem:s25+$0x12880]  }
0x57: {  	v50 =	vld [tilespmem:s25+$0x10000]  }
0x58: {  	v51 =	vld [tilespmem:s25+$0x12800]  }
0x59: {  	s24 =	simm.s32 $0x800;
	v52 =	vld [tilespmem:s25+$0x10010]  }
.LBB2_3:
0x5a: {  	p0 =	sne.s32 s24, $0x9800;
	v7 =	vld [tilespmem:s25+$0x12810];
	v8 =	vmul.f32 v8, v5  }
0x5b: {  	v5 =	vmul.f32 v10, v9;
	v10 =	vmul.f32 v17, v13;
	v9 =	vld [tilespmem:s25+$0x10090]  }
0x5c: {  	v13 =	vmul.f32 v23, v21;
	v21 =	vmul.f32 v25, v24;
	v17 =	vld [tilespmem:s25+$0x12890]  }
0x5d: {  	v23 =	vmul.f32 v33, v26;
	v25 =	vmul.f32 v36, v34;
	v24 =	vld [tilespmem:s25+$0x12910]  }
0x5e: {  	v26 =	vmul.f32 v38, v37;
	v34 =	vmul.f32 v44, v41;
	v33 =	vld [tilespmem:s25+$0x128A0]  }
0x5f: {  	v36 =	vmul.f32 v51, v50;
	v7 =	vmul.f32 v7, v52;
	v37 =	vld [tilespmem:s25+$0x12990]  }
0x60: {  	v38 =	vmul.f32 v49, v47;
	v41 =	vmul.f32 v45, v43;
	v43 =	vld [tilespmem:s25+$0x128B0]  }
0x61: {  	v7 =	vadd.f32 v7, v36;
	v36 =	vmul.f32 v48, v46;
	v9 =	vmul.f32 v17, v9;
	v17 =	vld [tilespmem:s25+$0x129A0]  }
0x62: {  	v39 =	vmul.f32 v40, v39;
	v44 =	vld [tilespmem:s25+$0x128C0];
	v24 =	vmul.f32 v24, v42  }
0x63: {  	v7 =	vadd.f32 v38, v7;
	v9 =	vadd.f32 v9, v36;
	v33 =	vmul.f32 v33, v35;
	v35 =	vld [tilespmem:s25+$0x129B0]  }
0x64: {  	v28 =	vmul.f32 v31, v28;
	v36 =	vld [tilespmem:s25+$0x128D0];
	v24 =	vadd.f32 v24, v39;
	v31 =	vmul.f32 v37, v32  }
0x65: {  	v7 =	vadd.f32 v41, v7;
	v9 =	vadd.f32 v33, v9;
	v30 =	vmul.f32 v43, v30;
	v32 =	vld [tilespmem:s25+$0x129C0]  }
0x66: {  	v33 =	vld [tilespmem:s25+$0x128E0];
	v24 =	vadd.f32 v34, v24;
	v28 =	vadd.f32 v31, v28;
	v17 =	vmul.f32 v17, v29  }
0x67: {  	v7 =	vadd.f32 v26, v7;
	v9 =	vadd.f32 v30, v9;
	v26 =	vmul.f32 v44, v27;
	v27 =	vld [tilespmem:s25+$0x129D0]  }
0x68: {  	v24 =	vadd.f32 v25, v24;
	v25 =	vld [tilespmem:s25+$0x12960];
	v17 =	vadd.f32 v17, v28;
	v19 =	vmul.f32 v35, v19  }
0x69: {  	v7 =	vadd.f32 v23, v7;
	v9 =	vadd.f32 v26, v9;
	v22 =	vmul.f32 v36, v22;
	v23 =	vld [tilespmem:s25+$0x129E0]  }
0x6a: {  	v21 =	vadd.f32 v21, v24;
	v17 =	vadd.f32 v19, v17;
	v19 =	vmul.f32 v32, v20;
	v20 =	vld [tilespmem:s25+$0x101F0]  }
0x6b: {  	v7 =	vadd.f32 v13, v7;
	v9 =	vadd.f32 v22, v9;
	v13 =	vmul.f32 v33, v18;
	v18 =	vld [tilespmem:s25+$0x129F0];
	s25 =	sshra.s32 s24, $0x2  }
0x6c: {  	v22 =	vld [tilespmem:s25+$0x10170];
	v10 =	vadd.f32 v10, v21;
	v17 =	vadd.f32 v19, v17;
	v16 =	vmul.f32 v27, v16  }
0x6d: {  	v19 =	vld [tilespmem:s25+$0x12970];
	v7 =	vadd.f32 v5, v7;
	v9 =	vadd.f32 v13, v9;
	v13 =	vmul.f32 v25, v15  }
0x6e: {  	v21 =	vmul.f32 v14, v12;
	v14 =	vadd.f32 v16, v17;
	v15 =	vmul.f32 v23, v11;
	v11 =	vld [tilespmem:s25+$0x101E0]  }
0x6f: {  	v5 =	vld [tilespmem:s25+$0x100F0];
	v16 =	vperm.xlane v7, v1;
	v17 =	vadd.f32 v8, v9;
	v9 =	vadd.f32 v13, v10  }
0x70: {  	v8 =	vld [tilespmem:s25+$0x128F0];
	v10 =	vadd.f32 v15, v14;
	v13 =	vmul.f32 v18, v20  }
0x71: {  	v15 =	vld [tilespmem:s25+$0x10160];
	v7 =	vadd.f32 v7, v16;
	v18 =	vperm.xlane v17, v1;
	v20 =	vadd.f32 v21, v9;
	v12 =	vmovc v22  }
0x72: {  	v16 =	vld [tilespmem:s25+$0x101D0];
	v21 =	vadd.f32 v13, v10;
	v14 =	vmov v19  }
0x73: {  	v9 =	vld [tilespmem:s25+$0x10070];
	v13 =	vperm.xlane v7, v2;
	v19 =	vadd.f32 v17, v18;
	v17 =	vperm.xlane v20, v1  }
0x74: {  	v10 =	vld [tilespmem:s25+$0x12870];
	v22 =	vperm.xlane v21, v1  }
0x75: {  	v18 =	vld [tilespmem:s25+$0x100E0];
	v7 =	vadd.f32 v7, v13;
	v23 =	vperm.xlane v19, v2;
	v24 =	vadd.f32 v20, v17  }
0x76: {  	v13 =	vld [tilespmem:s25+$0x10150];
	v22 =	vadd.f32 v21, v22  }
0x77: {  	v17 =	vld [tilespmem:s25+$0x12950];
	v25 =	vperm.xlane v7, v3;
	v19 =	vadd.f32 v19, v23;
	v23 =	vperm.xlane v24, v2  }
0x78: {  	v20 =	vld [tilespmem:s25+$0x101C0];
	v26 =	vperm.xlane v22, v2  }
0x79: {  	v21 =	vld [tilespmem:s25+$0x10060];
	v7 =	vadd.f32 v7, v25;
	v25 =	vperm.xlane v19, v3;
	v27 =	vadd.f32 v24, v23  }
0x7a: {  	v23 =	vld [tilespmem:s25+$0x12860];
	v26 =	vadd.f32 v22, v26  }
0x7b: {  	v22 =	vld [tilespmem:s25+$0x100D0];
	v28 =	vperm.xlane v7, v4;
	v29 =	vadd.f32 v19, v25;
	v19 =	vperm.xlane v27, v3  }
0x7c: {  	v24 =	vld [tilespmem:s25+$0x10140];
	v30 =	vperm.xlane v26, v3  }
0x7d: {  	v25 =	vld [tilespmem:s25+$0x12940];
	v7 =	vadd.f32 v7, v28;
	v28 =	vperm.xlane v29, v4;
	v31 =	vadd.f32 v27, v19  }
0x7e: {  	v19 =	vld [tilespmem:s25+$0x101B0];
	v30 =	vadd.f32 v26, v30  }
0x7f: {  	v26 =	vld [tilespmem:s25+$0x10050];
	v7 =	vmax.f32 v7, v0;
	v28 =	vadd.f32 v29, v28;
	v29 =	vperm.xlane v31, v4  }
0x80: {  	v33 =	vld [tilespmem:s25+$0x12850];
	v6 =	vadd.f32 v7, v6  }
0x81: {  	v27 =	vld [tilespmem:s25+$0x100C0];
	v7 =	vmax.f32 v28, v0;
	v28 =	vadd.f32 v31, v29;
	v29 =	vperm.xlane v30, v4  }
0x82: {  	v34 =	vld [tilespmem:s25+$0x10130];
	v6 =	vadd.f32 v7, v6  }
0x83: {  	v36 =	vld [tilespmem:s25+$0x12930];
	v7 =	vmax.f32 v28, v0;
	v28 =	vadd.f32 v30, v29  }
0x84: {  	v29 =	vld [tilespmem:s25+$0x101A0];
	v6 =	vadd.f32 v7, v6  }
0x85: {  	v37 =	vld [tilespmem:s25+$0x10040];
	v7 =	vmax.f32 v28, v0  }
0x86: {  	v38 =	vld [tilespmem:s25+$0x12840];
	v6 =	vadd.f32 v7, v6  }
0x87: {  	v30 =	vld [tilespmem:s25+$0x100B0]  }
0x88: {  	v41 =	vld [tilespmem:s25+$0x10120]  }
0x89: {  	v44 =	vld [tilespmem:s25+$0x12920]  }
0x8a: {  	v28 =	vld [tilespmem:s25+$0x10180]  }
0x8b: {  	v31 =	vld [tilespmem:s25+$0x12980]  }
0x8c: {  	v32 =	vld [tilespmem:s25+$0x10190]  }
0x8d: {  	v43 =	vld [tilespmem:s25+$0x10030]  }
0x8e: {  	v45 =	vld [tilespmem:s25+$0x12830]  }
0x8f: {  	v35 =	vld [tilespmem:s25+$0x100A0]  }
0x90: {  	v39 =	vld [tilespmem:s25+$0x10100]  }
0x91: {  	v40 =	vld [tilespmem:s25+$0x12900]  }
0x92: {  	v42 =	vld [tilespmem:s25+$0x10110]  }
0x93: {  	v47 =	vld [tilespmem:s25+$0x10020]  }
0x94: {  	v49 =	vld [tilespmem:s25+$0x12820]  }
.Ltmp2:
0x95: {  	v46 =	vld [tilespmem:s25+$0x10080];
	(pc) =	sbr.rel @p0 .LBB2_3-.Ltmp2, $4  }
0x96: {  	v48 =	vld [tilespmem:s25+$0x12880]  }
0x97: {  	v50 =	vld [tilespmem:s25+$0x10000]  }
0x98: {  	v51 =	vld [tilespmem:s25+$0x12800]  }
0x99: {  	s24 =	sadd.s32 $0x800, s24;
	v52 =	vld [tilespmem:s25+$0x10010]  }
0x9a: {  	v7 =	vld [tilespmem:s25+$0x129A0];
	_ =	sdelay $0x4  }
0x9b: {  	[tilespmem:$0x1FF40] =	vst v7;
	v7 =	vld [tilespmem:s25+$0x128C0];
	_ =	sdelay $0x4  }
0x9c: {  	[tilespmem:$0x1FF50] =	vst v7;
	v7 =	vld [tilespmem:s25+$0x129B0];
	_ =	sdelay $0x4  }
0x9d: {  	[tilespmem:$0x1FF60] =	vst v7;
	v7 =	vld [tilespmem:s25+$0x128D0];
	_ =	sdelay $0x4  }
0x9e: {  	[tilespmem:$0x1FF70] =	vst v7;
	v7 =	vld [tilespmem:s25+$0x129C0];
	_ =	sdelay $0x4  }
0x9f: {  	[tilespmem:$0x1FF80] =	vst v7;
	v7 =	vld [tilespmem:s25+$0x128E0];
	_ =	sdelay $0x4  }
0xa0: {  	[tilespmem:$0x1FF90] =	vst v7;
	v7 =	vld [tilespmem:s25+$0x129D0];
	_ =	sdelay $0x4  }
0xa1: {  	[tilespmem:$0x1FFA0] =	vst v7;
	v7 =	vld [tilespmem:s25+$0x12960];
	_ =	sdelay $0x4  }
0xa2: {  	[tilespmem:$0x1FFB0] =	vst v7;
	v7 =	vld [tilespmem:s25+$0x129E0];
	_ =	sdelay $0x3  }
0xa3: {  	v54 =	vld [tilespmem:s25+$0x12810]  }
0xa4: {  	[tilespmem:$0x1FFC0] =	vst v7;
	v7 =	vld [tilespmem:s25+$0x101F0]  }
0xa5: {  	v57 =	vld [tilespmem:s25+$0x10090]  }
0xa6: {  	v56 =	vld [tilespmem:s25+$0x12890]  }
0xa7: {  	v58 =	vld [tilespmem:s25+$0x12910]  }
0xa8: {  	v59 =	vld [tilespmem:s25+$0x128A0]  }
0xa9: {  	s24 =	sshll.u32 s23, $0x8;
	p0 =	seq.s32 s23, $0x7C;
	[tilespmem:$0x1FFE0] =	vst v7;
	v7 =	vld [tilespmem:s25+$0x129F0]  }
0xaa: {  	v61 =	vld [tilespmem:s25+$0x12990];
	s26 =	sadd.s32 @!p0 $0x100, s24;
	s28 =	simm.s32 @!p0 $0x50;
	s29 =	simm.s32 @!p0 $0x10000  }
0xab: {  	v63 =	vld [tilespmem:s25+$0x128B0];
	[tilespmem:s29], [sflag:$0x1] =	stream.indirect.gather @!p0 [hbm4b:s2+s28], $0x80, s26, s28, $0xb8  }
0xac: {  	v60 =	vmul.f32 v17, v13;
	s25 =	sadd.s32 @!p0 $0x8100, s24;
	s26 =	simm.s32 @!p0 $0x12800  }
0xad: {  	v13 =	vmul.f32 v51, v50;
	v17 =	vmul.f32 v54, v52;
	[tilespmem:s26], [sflag:$0x2] =	stream.indirect.gather @!p0 [hbm4b:s2+s28], $0x80, s25, s28, $0xb8;
	[tilespmem:$0x1A080] =	vst v63  }
0xae: {  	[tilespmem:$0x1FFF0] =	vst v7  }
0xaf: {  	v33 =	vmul.f32 v33, v26;
	v26 =	vmul.f32 v49, v47;
	v17 =	vadd.f32 v17, v13;
	_ =	swait.ge [sflag:s19], $0x2800  }
0xb0: {  	v39 =	vmul.f32 v40, v39;
	v58 =	vmul.f32 v58, v42;
	[sflag:s19] =	ssyncset.done $0x0  }
0xb1: {  	v34 =	vmul.f32 v36, v34;
	v52 =	vmul.f32 v45, v43;
	v17 =	vadd.f32 v26, v17;
	[sflag:s19] =	ssyncadd.s32 $0xFFFFD800  }
0xb2: {  	v36 =	vmul.f32 v38, v37;
	v37 =	vmul.f32 v44, v41;
	v39 =	vadd.f32 v58, v39;
	_ =	swait.ge [sflag:s20], $0x2800  }
0xb3: {  	v35 =	vmul.f32 v59, v35;
	v38 =	vadd.f32 v52, v17;
	v59 =	vld [tilespmem:$0x1FF40]  }
0xb4: {  	v32 =	vmul.f32 v61, v32;
	v37 =	vadd.f32 v37, v39;
	v61 =	vld [tilespmem:$0x1FF50]  }
0xb5: {  	v30 =	vmul.f32 v63, v30;
	v36 =	vadd.f32 v36, v38;
	v63 =	vld [tilespmem:$0x1FF60]  }
0xb6: {  	v54 =	vmul.f32 v48, v46;
	v57 =	vmul.f32 v56, v57;
	v34 =	vadd.f32 v34, v37;
	v37 =	vld [tilespmem:$0x1FF70]  }
0xb7: {  	v55 =	vmul.f32 v23, v21;
	v33 =	vadd.f32 v33, v36;
	v38 =	vld [tilespmem:$0x1FF80]  }
0xb8: {  	v41 =	vadd.f32 v57, v54;
	v39 =	vld [tilespmem:$0x1FF90]  }
0xb9: {  	v5 =	vmul.f32 v8, v5;
	v62 =	vmul.f32 v10, v9;
	v33 =	vadd.f32 v55, v33;
	v40 =	vld [tilespmem:$0x1FFA0]  }
0xba: {  	v35 =	vadd.f32 v35, v41;
	v41 =	vld [tilespmem:$0x1FFB0]  }
0xbb: {  	v33 =	vadd.f32 v62, v33;
	[sflag:s20] =	ssyncset.done $0x0;
	[tilespmem:$0x1FFD0] =	vst v5;
	v44 =	vld [tilespmem:$0x1FFF0]  }
0xbc: {  	s25 =	simm.s32 $0x0;
	[sflag:s20] =	ssyncadd.s32 $0xFFFFD800;
	v43 =	vld [tilespmem:$0x1FFD0]  }
0xbd: {  	v42 =	vperm.xlane v33, v1;
	v7 =	vld [tilespmem:s25+$0x15170]  }
0xbe: {  	v8 =	vld [tilespmem:s25+$0x17970]  }
0xbf: {  	v33 =	vadd.f32 v33, v42;
	v5 =	vld [tilespmem:s25+$0x151E0]  }
0xc0: {  	v21 =	vld [tilespmem:s25+$0x150F0]  }
0xc1: {  	v31 =	vmul.f32 v31, v28;
	v47 =	vperm.xlane v33, v2;
	v23 =	vld [tilespmem:s25+$0x178F0]  }
0xc2: {  	v9 =	vld [tilespmem:s25+$0x15160]  }
0xc3: {  	v31 =	vadd.f32 v32, v31;
	v33 =	vadd.f32 v33, v47;
	v10 =	vld [tilespmem:s25+$0x151D0];
	v32 =	vmul.f32 v59, v29  }
0xc4: {  	v53 =	vmul.f32 v25, v24;
	v24 =	vld [tilespmem:s25+$0x15070]  }
0xc5: {  	v51 =	vperm.xlane v33, v3;
	v25 =	vld [tilespmem:s25+$0x17870];
	v31 =	vadd.f32 v32, v31;
	v32 =	vmul.f32 v63, v19  }
0xc6: {  	v13 =	vld [tilespmem:s25+$0x150E0]  }
0xc7: {  	v42 =	vadd.f32 v33, v51;
	v26 =	vld [tilespmem:s25+$0x15150];
	v31 =	vadd.f32 v32, v31;
	v32 =	vmul.f32 v38, v20  }
0xc8: {  	v28 =	vld [tilespmem:s25+$0x17950]  }
0xc9: {  	v56 =	vperm.xlane v42, v4;
	v17 =	vld [tilespmem:s25+$0x151C0];
	v31 =	vadd.f32 v32, v31;
	v32 =	vmul.f32 v40, v16  }
0xca: {  	v12 =	vmul.f32 v14, v12;
	v30 =	vadd.f32 v30, v35;
	v36 =	vld [tilespmem:s25+$0x17840]  }
0xcb: {  	v47 =	vadd.f32 v42, v56;
	v35 =	vmul.f32 v61, v27;
	v14 =	vadd.f32 v32, v31;
	v31 =	vld [tilespmem:$0x1FFC0]  }
0xcc: {  	v33 =	vld [tilespmem:s25+$0x15190]  }
0xcd: {  	v47 =	vmax.f32 v47, v0;
	v42 =	vld [tilespmem:s25+$0x17900];
	v30 =	vadd.f32 v35, v30;
	v35 =	vmul.f32 v37, v22  }
0xce: {  	v6 =	vadd.f32 v47, v6;
	v47 =	vld [tilespmem:s25+$0x17820]  }
0xcf: {  	v34 =	vadd.f32 v53, v34;
	v29 =	vld [tilespmem:s25+$0x15060];
	v30 =	vadd.f32 v35, v30;
	v35 =	vmul.f32 v39, v18  }
0xd0: {  	v27 =	vld [tilespmem:s25+$0x17860];
	v31 =	vmul.f32 v31, v11  }
0xd1: {  	v34 =	vadd.f32 v60, v34;
	v19 =	vld [tilespmem:s25+$0x150D0];
	v30 =	vadd.f32 v35, v30;
	v35 =	vmul.f32 v41, v15  }
0xd2: {  	v14 =	vadd.f32 v31, v14;
	v31 =	vld [tilespmem:$0x1FFE0]  }
0xd3: {  	v22 =	vld [tilespmem:s25+$0x15140];
	v35 =	vadd.f32 v35, v34  }
0xd4: {  	v20 =	vld [tilespmem:s25+$0x17940];
	v30 =	vadd.f32 v43, v30  }
0xd5: {  	v18 =	vld [tilespmem:s25+$0x151B0];
	v46 =	vadd.f32 v12, v35  }
0xd6: {  	v38 =	vld [tilespmem:s25+$0x15120];
	v45 =	vperm.xlane v30, v1  }
0xd7: {  	v39 =	vld [tilespmem:s25+$0x17920];
	v48 =	vperm.xlane v46, v1;
	v31 =	vmul.f32 v44, v31  }
0xd8: {  	v16 =	vld [tilespmem:s25+$0x15050];
	v30 =	vadd.f32 v30, v45  }
0xd9: {  	v15 =	vld [tilespmem:s25+$0x17850];
	v37 =	vadd.f32 v46, v48;
	v31 =	vadd.f32 v31, v14  }
0xda: {  	v32 =	vld [tilespmem:s25+$0x15130];
	v50 =	vperm.xlane v30, v2  }
0xdb: {  	v34 =	vld [tilespmem:s25+$0x17930];
	v52 =	vperm.xlane v37, v2;
	v49 =	vperm.xlane v31, v1  }
0xdc: {  	v43 =	vld [tilespmem:s25+$0x17830];
	v41 =	vadd.f32 v30, v50  }
0xdd: {  	v12 =	vld [tilespmem:s25+$0x151A0];
	v55 =	vadd.f32 v37, v52;
	v40 =	vadd.f32 v31, v49  }
0xde: {  	v35 =	vld [tilespmem:s25+$0x15040];
	v54 =	vperm.xlane v41, v3  }
0xdf: {  	v11 =	vld [tilespmem:s25+$0x150C0];
	v57 =	vperm.xlane v55, v3;
	v53 =	vperm.xlane v40, v2  }
0xe0: {  	v30 =	vld [tilespmem:s25+$0x15180];
	v45 =	vadd.f32 v41, v54  }
0xe1: {  	v37 =	vld [tilespmem:s25+$0x150A0];
	v46 =	vadd.f32 v55, v57;
	v44 =	vadd.f32 v40, v53  }
0xe2: {  	v41 =	vld [tilespmem:s25+$0x15100];
	v59 =	vperm.xlane v45, v4  }
0xe3: {  	v14 =	vld [tilespmem:s25+$0x150B0];
	v60 =	vperm.xlane v46, v4;
	v58 =	vperm.xlane v44, v3  }
0xe4: {  	v31 =	vld [tilespmem:s25+$0x17980];
	v49 =	vadd.f32 v45, v59  }
0xe5: {  	v45 =	vld [tilespmem:s25+$0x15020];
	v50 =	vadd.f32 v46, v60;
	v48 =	vadd.f32 v44, v58  }
0xe6: {  	v46 =	vld [tilespmem:s25+$0x15080]  }
0xe7: {  	v49 =	vmax.f32 v49, v0;
	v62 =	vmax.f32 v50, v0;
	v50 =	vld [tilespmem:s25+$0x17800];
	v61 =	vperm.xlane v48, v4  }
0xe8: {  	v6 =	vadd.f32 v49, v6;
	v49 =	vld [tilespmem:s25+$0x15000]  }
0xe9: {  	v40 =	vld [tilespmem:s25+$0x15030];
	v63 =	vadd.f32 v48, v61  }
0xea: {  	v6 =	vadd.f32 v62, v6;
	v44 =	vld [tilespmem:s25+$0x15110]  }
0xeb: {  	v48 =	vld [tilespmem:s25+$0x17880];
	v51 =	vmax.f32 v63, v0  }
0xec: {  	s26 =	simm.s32 $0x800;
	v6 =	vadd.f32 v51, v6;
	v51 =	vld [tilespmem:s25+$0x15010]  }
.LBB2_5:
0xed: {  	p1 =	sne.s32 s26, $0x9800;
	v52 =	vld [tilespmem:s25+$0x17810];
	v23 =	vmul.f32 v23, v21  }
0xee: {  	v21 =	vmul.f32 v25, v24;
	v25 =	vmul.f32 v28, v26;
	v24 =	vld [tilespmem:s25+$0x15090]  }
0xef: {  	v26 =	vmul.f32 v27, v29;
	v20 =	vmul.f32 v20, v22;
	v27 =	vld [tilespmem:s25+$0x17890]  }
0xf0: {  	v15 =	vmul.f32 v15, v16;
	v22 =	vmul.f32 v34, v32;
	v16 =	vld [tilespmem:s25+$0x17910]  }
0xf1: {  	v28 =	vmul.f32 v36, v35;
	v32 =	vmul.f32 v39, v38;
	v29 =	vld [tilespmem:s25+$0x178A0]  }
0xf2: {  	v34 =	vmul.f32 v50, v49;
	v35 =	vmul.f32 v52, v51;
	v36 =	vld [tilespmem:s25+$0x17990]  }
0xf3: {  	v38 =	vmul.f32 v47, v45;
	v39 =	vmul.f32 v43, v40;
	v40 =	vld [tilespmem:s25+$0x178B0]  }
0xf4: {  	v34 =	vadd.f32 v35, v34;
	v35 =	vmul.f32 v48, v46;
	v24 =	vmul.f32 v27, v24;
	v27 =	vld [tilespmem:s25+$0x179A0]  }
0xf5: {  	v41 =	vmul.f32 v42, v41;
	v43 =	vld [tilespmem:s25+$0x178C0];
	v16 =	vmul.f32 v16, v44  }
0xf6: {  	v34 =	vadd.f32 v38, v34;
	v24 =	vadd.f32 v24, v35;
	v29 =	vmul.f32 v29, v37;
	v35 =	vld [tilespmem:s25+$0x179B0]  }
0xf7: {  	v30 =	vmul.f32 v31, v30;
	v37 =	vld [tilespmem:s25+$0x178D0];
	v16 =	vadd.f32 v16, v41;
	v31 =	vmul.f32 v36, v33  }
0xf8: {  	v33 =	vadd.f32 v39, v34;
	v24 =	vadd.f32 v29, v24;
	v14 =	vmul.f32 v40, v14;
	v29 =	vld [tilespmem:s25+$0x179C0]  }
0xf9: {  	v34 =	vld [tilespmem:s25+$0x178E0];
	v16 =	vadd.f32 v32, v16;
	v30 =	vadd.f32 v31, v30;
	v12 =	vmul.f32 v27, v12  }
0xfa: {  	v27 =	vadd.f32 v28, v33;
	v14 =	vadd.f32 v14, v24;
	v11 =	vmul.f32 v43, v11;
	v24 =	vld [tilespmem:s25+$0x179D0]  }
0xfb: {  	v16 =	vadd.f32 v22, v16;
	v22 =	vld [tilespmem:s25+$0x17960];
	v12 =	vadd.f32 v12, v30;
	v18 =	vmul.f32 v35, v18  }
0xfc: {  	v15 =	vadd.f32 v15, v27;
	v11 =	vadd.f32 v11, v14;
	v14 =	vmul.f32 v37, v19;
	v19 =	vld [tilespmem:s25+$0x179E0]  }
0xfd: {  	v16 =	vadd.f32 v20, v16;
	v12 =	vadd.f32 v18, v12;
	v17 =	vmul.f32 v29, v17;
	v18 =	vld [tilespmem:s25+$0x151F0]  }
0xfe: {  	v15 =	vadd.f32 v26, v15;
	v11 =	vadd.f32 v14, v11;
	v13 =	vmul.f32 v34, v13;
	v14 =	vld [tilespmem:s25+$0x179F0];
	s25 =	sshra.s32 s26, $0x2  }
0xff: {  	v20 =	vld [tilespmem:s25+$0x15170];
	v16 =	vadd.f32 v25, v16;
	v12 =	vadd.f32 v17, v12;
	v10 =	vmul.f32 v24, v10  }
0x100: {  	v17 =	vld [tilespmem:s25+$0x17970];
	v15 =	vadd.f32 v21, v15;
	v11 =	vadd.f32 v13, v11;
	v9 =	vmul.f32 v22, v9  }
0x101: {  	v22 =	vmul.f32 v8, v7;
	v8 =	vadd.f32 v10, v12;
	v10 =	vmul.f32 v19, v5;
	v5 =	vld [tilespmem:s25+$0x151E0]  }
0x102: {  	v21 =	vld [tilespmem:s25+$0x150F0];
	v12 =	vperm.xlane v15, v1;
	v11 =	vadd.f32 v23, v11;
	v13 =	vadd.f32 v9, v16  }
0x103: {  	v23 =	vld [tilespmem:s25+$0x178F0];
	v19 =	vadd.f32 v10, v8;
	v14 =	vmul.f32 v14, v18  }
0x104: {  	v9 =	vld [tilespmem:s25+$0x15160];
	v12 =	vadd.f32 v15, v12;
	v15 =	vperm.xlane v11, v1;
	v16 =	vadd.f32 v22, v13;
	v7 =	vmovc v20  }
0x105: {  	v10 =	vld [tilespmem:s25+$0x151D0];
	v14 =	vadd.f32 v14, v19;
	v8 =	vmov v17  }
0x106: {  	v24 =	vld [tilespmem:s25+$0x15070];
	v17 =	vperm.xlane v12, v2;
	v11 =	vadd.f32 v11, v15;
	v15 =	vperm.xlane v16, v1  }
0x107: {  	v25 =	vld [tilespmem:s25+$0x17870];
	v18 =	vperm.xlane v14, v1  }
0x108: {  	v13 =	vld [tilespmem:s25+$0x150E0];
	v12 =	vadd.f32 v12, v17;
	v17 =	vperm.xlane v11, v2;
	v15 =	vadd.f32 v16, v15  }
0x109: {  	v26 =	vld [tilespmem:s25+$0x15150];
	v14 =	vadd.f32 v14, v18  }
0x10a: {  	v28 =	vld [tilespmem:s25+$0x17950];
	v16 =	vperm.xlane v12, v3;
	v11 =	vadd.f32 v11, v17;
	v18 =	vperm.xlane v15, v2  }
0x10b: {  	v17 =	vld [tilespmem:s25+$0x151C0];
	v19 =	vperm.xlane v14, v2  }
0x10c: {  	v29 =	vld [tilespmem:s25+$0x15060];
	v12 =	vadd.f32 v12, v16;
	v16 =	vperm.xlane v11, v3;
	v15 =	vadd.f32 v15, v18  }
0x10d: {  	v27 =	vld [tilespmem:s25+$0x17860];
	v14 =	vadd.f32 v14, v19  }
0x10e: {  	v19 =	vld [tilespmem:s25+$0x150D0];
	v18 =	vperm.xlane v12, v4;
	v11 =	vadd.f32 v11, v16;
	v16 =	vperm.xlane v15, v3  }
0x10f: {  	v22 =	vld [tilespmem:s25+$0x15140];
	v30 =	vperm.xlane v14, v3  }
0x110: {  	v20 =	vld [tilespmem:s25+$0x17940];
	v12 =	vadd.f32 v12, v18;
	v31 =	vperm.xlane v11, v4;
	v32 =	vadd.f32 v15, v16  }
0x111: {  	v18 =	vld [tilespmem:s25+$0x151B0];
	v14 =	vadd.f32 v14, v30  }
0x112: {  	v16 =	vld [tilespmem:s25+$0x15050];
	v12 =	vmax.f32 v12, v0;
	v30 =	vadd.f32 v11, v31;
	v31 =	vperm.xlane v32, v4  }
0x113: {  	v15 =	vld [tilespmem:s25+$0x17850];
	v6 =	vadd.f32 v12, v6  }
0x114: {  	v11 =	vld [tilespmem:s25+$0x150C0];
	v12 =	vmax.f32 v30, v0;
	v30 =	vadd.f32 v32, v31;
	v31 =	vperm.xlane v14, v4  }
0x115: {  	v32 =	vld [tilespmem:s25+$0x15130];
	v6 =	vadd.f32 v12, v6  }
0x116: {  	v34 =	vld [tilespmem:s25+$0x17930];
	v30 =	vmax.f32 v30, v0;
	v14 =	vadd.f32 v14, v31  }
0x117: {  	v12 =	vld [tilespmem:s25+$0x151A0];
	v6 =	vadd.f32 v30, v6  }
0x118: {  	v35 =	vld [tilespmem:s25+$0x15040];
	v14 =	vmax.f32 v14, v0  }
0x119: {  	v36 =	vld [tilespmem:s25+$0x17840];
	v6 =	vadd.f32 v14, v6  }
0x11a: {  	v14 =	vld [tilespmem:s25+$0x150B0]  }
0x11b: {  	v38 =	vld [tilespmem:s25+$0x15120]  }
0x11c: {  	v39 =	vld [tilespmem:s25+$0x17920]  }
0x11d: {  	v30 =	vld [tilespmem:s25+$0x15180]  }
0x11e: {  	v31 =	vld [tilespmem:s25+$0x17980]  }
0x11f: {  	v33 =	vld [tilespmem:s25+$0x15190]  }
0x120: {  	v40 =	vld [tilespmem:s25+$0x15030]  }
0x121: {  	v43 =	vld [tilespmem:s25+$0x17830]  }
0x122: {  	v37 =	vld [tilespmem:s25+$0x150A0]  }
0x123: {  	v41 =	vld [tilespmem:s25+$0x15100]  }
0x124: {  	v42 =	vld [tilespmem:s25+$0x17900]  }
0x125: {  	v44 =	vld [tilespmem:s25+$0x15110]  }
0x126: {  	v45 =	vld [tilespmem:s25+$0x15020]  }
0x127: {  	v47 =	vld [tilespmem:s25+$0x17820]  }
.Ltmp3:
0x128: {  	v46 =	vld [tilespmem:s25+$0x15080];
	(pc) =	sbr.rel @p1 .LBB2_5-.Ltmp3, $4  }
0x129: {  	v48 =	vld [tilespmem:s25+$0x17880]  }
0x12a: {  	v49 =	vld [tilespmem:s25+$0x15000]  }
0x12b: {  	v50 =	vld [tilespmem:s25+$0x17800]  }
0x12c: {  	s26 =	sadd.s32 $0x800, s26;
	v51 =	vld [tilespmem:s25+$0x15010]  }
0x12d: {  	v52 =	vld [tilespmem:s25+$0x17810]  }
0x12e: {  	v21 =	vmul.f32 v23, v21;
	v23 =	vmul.f32 v25, v24;
	v60 =	vld [tilespmem:s25+$0x15090]  }
0x12f: {  	v25 =	vmul.f32 v28, v26;
	v26 =	vmul.f32 v27, v29;
	v61 =	vld [tilespmem:s25+$0x17890]  }
0x130: {  	v20 =	vmul.f32 v20, v22;
	v15 =	vmul.f32 v15, v16;
	v62 =	vld [tilespmem:s25+$0x17910]  }
0x131: {  	v22 =	vmul.f32 v34, v32;
	v28 =	vmul.f32 v36, v35;
	v63 =	vld [tilespmem:s25+$0x178A0]  }
0x132: {  	v32 =	vmul.f32 v39, v38;
	v55 =	vld [tilespmem:s25+$0x17990];
	v56 =	vmul.f32 v47, v45  }
0x133: {  	v58 =	vld [tilespmem:s25+$0x178B0];
	v53 =	vmul.f32 v50, v49;
	v54 =	vmul.f32 v52, v51  }
0x134: {  	v57 =	vmul.f32 v43, v40;
	v41 =	vmul.f32 v42, v41;
	v40 =	vld [tilespmem:s25+$0x179C0]  }
0x135: {  	v59 =	vmul.f32 v48, v46;
	v24 =	vmul.f32 v61, v60;
	v60 =	vld [tilespmem:s25+$0x179A0];
	v34 =	vadd.f32 v54, v53  }
0x136: {  	v30 =	vmul.f32 v31, v30;
	v61 =	vld [tilespmem:s25+$0x178C0];
	v16 =	vmul.f32 v62, v44  }
0x137: {  	v29 =	vmul.f32 v63, v37;
	v62 =	vld [tilespmem:s25+$0x179B0];
	v24 =	vadd.f32 v24, v59;
	v34 =	vadd.f32 v56, v34  }
0x138: {  	v63 =	vld [tilespmem:s25+$0x178D0];
	v38 =	vmul.f32 v55, v33;
	v14 =	vmul.f32 v58, v14;
	v16 =	vadd.f32 v16, v41  }
0x139: {  	v45 =	vld [tilespmem:s25+$0x17960];
	v17 =	vmul.f32 v40, v17;
	v24 =	vadd.f32 v29, v24;
	v39 =	vadd.f32 v57, v34  }
0x13a: {  	v41 =	vld [tilespmem:s25+$0x178E0];
	v30 =	vadd.f32 v38, v30;
	v16 =	vadd.f32 v32, v16;
	v12 =	vmul.f32 v60, v12  }
0x13b: {  	v44 =	vld [tilespmem:s25+$0x179D0];
	v11 =	vmul.f32 v61, v11;
	v14 =	vadd.f32 v14, v24;
	v42 =	vadd.f32 v28, v39  }
0x13c: {  	v18 =	vmul.f32 v62, v18;
	v16 =	vadd.f32 v22, v16;
	v12 =	vadd.f32 v12, v30  }
0x13d: {  	v47 =	vld [tilespmem:s25+$0x179E0];
	v46 =	vmul.f32 v63, v19;
	v11 =	vadd.f32 v11, v14;
	v15 =	vadd.f32 v15, v42  }
0x13e: {  	v9 =	vmul.f32 v45, v9;
	v16 =	vadd.f32 v20, v16;
	v12 =	vadd.f32 v18, v12  }
0x13f: {  	v48 =	vld [tilespmem:s25+$0x151F0];
	v13 =	vmul.f32 v41, v13;
	v11 =	vadd.f32 v46, v11;
	v15 =	vadd.f32 v26, v15  }
0x140: {  	v49 =	vld [tilespmem:s25+$0x179F0];
	v10 =	vmul.f32 v44, v10;
	v16 =	vadd.f32 v25, v16;
	v12 =	vadd.f32 v17, v12  }
0x141: {  	v7 =	vmul.f32 v8, v7;
	v11 =	vadd.f32 v13, v11;
	v15 =	vadd.f32 v23, v15  }
0x142: {  	v5 =	vmul.f32 v47, v5;
	v9 =	vadd.f32 v9, v16;
	v8 =	vadd.f32 v10, v12  }
0x143: {  	v11 =	vadd.f32 v21, v11;
	v50 =	vperm.xlane v15, v1  }
0x144: {  	v7 =	vadd.f32 v7, v9;
	v5 =	vadd.f32 v5, v8  }
0x145: {  	v8 =	vmul.f32 v49, v48;
	v51 =	vperm.xlane v11, v1;
	v10 =	vadd.f32 v15, v50  }
0x146: {  	v53 =	vperm.xlane v7, v1  }
0x147: {  	v5 =	vadd.f32 v8, v5;
	v52 =	vadd.f32 v11, v51;
	v8 =	vperm.xlane v10, v2  }
0x148: {  	v7 =	vadd.f32 v7, v53  }
0x149: {  	v54 =	vperm.xlane v5, v1;
	v55 =	vperm.xlane v52, v2;
	v8 =	vadd.f32 v10, v8  }
0x14a: {  	v57 =	vperm.xlane v7, v2  }
0x14b: {  	v5 =	vadd.f32 v5, v54;
	v9 =	vadd.f32 v52, v55;
	v56 =	vperm.xlane v8, v3  }
0x14c: {  	v7 =	vadd.f32 v7, v57  }
0x14d: {  	v12 =	vperm.xlane v5, v2;
	v58 =	vperm.xlane v9, v3;
	v8 =	vadd.f32 v8, v56  }
0x14e: {  	v60 =	vperm.xlane v7, v3  }
0x14f: {  	v5 =	vadd.f32 v5, v12;
	v9 =	vadd.f32 v9, v58;
	v59 =	vperm.xlane v8, v4  }
0x150: {  	v7 =	vadd.f32 v7, v60  }
0x151: {  	v12 =	vperm.xlane v5, v3;
	v61 =	vperm.xlane v9, v4;
	v8 =	vadd.f32 v8, v59  }
0x152: {  	v62 =	vperm.xlane v7, v4  }
0x153: {  	v5 =	vadd.f32 v5, v12;
	v9 =	vadd.f32 v9, v61;
	v8 =	vmax.f32 v8, v0  }
0x154: {  	v6 =	vadd.f32 v8, v6  }
0x155: {  	v7 =	vadd.f32 v7, v62;
	v63 =	vperm.xlane v5, v4;
	v8 =	vmax.f32 v9, v0  }
.Ltmp4:
0x156: {  	v6 =	vadd.f32 v8, v6;
	(pc) =	sbr.rel @p0 .LBB2_8-.Ltmp4, $4  }
0x157: {  	v7 =	vmax.f32 v7, v0;
	v5 =	vadd.f32 v5, v63  }
0x158: {  	v6 =	vadd.f32 v7, v6  }
0x159: {  	v5 =	vmax.f32 v5, v0  }
0x15a: {  	v6 =	vadd.f32 v5, v6  }
.Ltmp5:
0x15b: {  	(pc) =	sbr.rel .LBB2_2-.Ltmp5, $4  }
0x15c: {  	s25 =	sadd.s32 $0x180, s24  }
0x15d: {  	[tilespmem:s14], [sflag:$0x3] =	stream.indirect.gather [hbm4b:s2+s10], $0x80, s25, s10, $0xb8;
	[tilespmem:$0x1A080] =	vst v63  }
0x15e: {  	s31 =	sadd.s32 $0x8180, s24;
	s23 =	sadd.s32 $0x1, s23  }
0x15f: {  	[tilespmem:s16], [sflag:$0x4] =	stream.indirect.gather [hbm4b:s2+s10], $0x80, s31, s10, $0xb8;
	[tilespmem:$0x1A080] =	vst v63  }
.LBB2_9:
0x160: {  	_ =	sfence.sel $0x180000  }
0x161: {  	[bflag:$0x0] =	sbarrier.arrive $0xFFFF  }
0x162: {  	p0 =	sne.s32 s1, $0x0;
	_ =	strace $0x90000047  }
0x163: {  	s0 =	sadd.s32 @!p0 $0x100000, s0;
	[bflag:$0x2] =	sbarrier.arrive $0xFFFF  }
0x164: {  	[sflag:s0] =	ssyncadd.tile.s32 @!p0 $0x1;
	_ =	shalt  }
.Lfunc_end2:
_tile_overlayer_lowered:
.L_overlay_start_2:
0x165: {  	(tag) =	ssettag $0x2  }
0x166: {  	s0 =	rddreg [dreg:$0x0];
	s2 =	stileid.u32  }
0x167: {  	s1 =	rddreg [dreg:$0x1];
	p0 =	sne.s32 s2, $0x0  }
0x168: {  	s3 =	rddreg [dreg:$0x2];
	[bflag:$0x3] =	sbarrier.arrive $0xFFFF;
	s2 =	simm.s32 @!p0 $0x1C05  }
0x169: {  	[timem:s3], [sflag:s2] =	dma.local @!p0 [hbm:s0], s1  }
0x16a: {  	s0 =	simm.s32 @!p0 $0x5  }
0x16b: {  	_ =	swait.ge @!p0 [sflag:s0], s1  }
0x16c: {  	s1 =	ssub.s32 @!p0 $0x0, s1;
	[sflag:s0] =	ssyncset.done @!p0 $0x0  }
0x16d: {  	[sflag:s0] =	ssyncadd.s32 @!p0 s1  }
0x16e: {  	[bflag:$0x3] =	sbarrier.arrive $0xFFFF  }
0x16f: {  	_ =	shalt  }

</sc_bundles>
